<compile_context>
chip_gen: v7x
topology: tpu7x:2x2x1
jax: 0.10.2.dev20260603
libtpu: 0.0.44.dev20260713+nightly
codegen_flags: <defaults>
</compile_context>

<pallas_src>
import functools

import jax
import jax.numpy as jnp
from jax import lax
from jax.experimental import pallas as pl
from jax.experimental.pallas import tpu as pltpu
from jax.experimental.pallas import tpu_sc as plsc

_N = 10000
_NC = 2
_NS = 16
_NW = _NC * _NS
_IDX = 128
_ROWS = 10240


def _elu(v):
    return jnp.where(v > 0.0, v, jnp.exp(jnp.minimum(v, 0.0)) - 1.0)



def _tc1_body(x_ref, wg_ref, ws_ref, g_ref, s_ref):
    xv = x_ref[...]
    g_ref[...] = jnp.dot(xv, wg_ref[...], preferred_element_type=jnp.float32)
    s_ref[...] = jnp.dot(xv, ws_ref[...], preferred_element_type=jnp.float32)


def _tc2_body(a_ref, s_ref, b1a_ref, b1b_ref, h_ref):
    a = a_ref[0] + a_ref[1]
    a = a[:_N]
    s = s_ref[...]
    ha = _elu(a[:, :16] + s[:, :16] + b1a_ref[...])
    hb = _elu(a[:, 16:] + s[:, 16:] + b1b_ref[...])
    h_ref[...] = _elu(0.5 * (ha + hb))


def _tc3_body(a_ref, h_ref, w21_ref, w22_ref, b2_ref, o_ref):
    a = a_ref[0] + a_ref[1]
    a = a[:_N]
    h = h_ref[...]
    z = (jnp.dot(a, w21_ref[...], preferred_element_type=jnp.float32)
         + jnp.dot(h, w22_ref[...], preferred_element_type=jnp.float32)
         + b2_ref[...])
    z = z - jnp.max(z, axis=-1, keepdims=True)
    e = jnp.exp(z)
    o_ref[...] = e / jnp.sum(e, axis=-1, keepdims=True)



def _make_sc_agg(d, n_chunks):
    rpt = _ROWS // _NS

    def body(g_hbm, src_hbm, dst_hbm, z_hbm, out_hbm,
             src_v, dst_v, rows_v, acc_sh, sem):
        c = lax.axis_index("c")
        s = lax.axis_index("s")
        wid = s * _NC + c
        pltpu.sync_copy(z_hbm.at[pl.ds(s * rpt, rpt)],
                        acc_sh.at[pl.ds(s * rpt, rpt)])
        pltpu.sync_copy(src_hbm.at[wid], src_v)
        pltpu.sync_copy(dst_hbm.at[wid], dst_v)
        plsc.subcore_barrier()

        def step(j, carry):
            pltpu.async_copy(g_hbm.at[src_v.at[j]], rows_v, sem).wait()
            pltpu.sync_copy(rows_v, acc_sh.at[dst_v.at[j]], add=True)
            return carry

        lax.fori_loop(0, n_chunks, step, 0)
        plsc.subcore_barrier()
        pltpu.sync_copy(acc_sh.at[pl.ds(s * rpt, rpt)],
                        out_hbm.at[c, pl.ds(s * rpt, rpt)])

    return pl.kernel(
        body,
        mesh=plsc.VectorSubcoreMesh(core_axis_name="c", subcore_axis_name="s"),
        compiler_params=pltpu.CompilerParams(use_tc_tiling_on_sc=False),
        out_type=jax.ShapeDtypeStruct((_NC, _ROWS, d), jnp.float32),
        scratch_types=[
            pltpu.VMEM((n_chunks, _IDX), jnp.int32),
            pltpu.VMEM((n_chunks, _IDX), jnp.int32),
            pltpu.VMEM((_IDX, d), jnp.float32),
            pltpu.VMEM_SHARED((_ROWS, d), jnp.float32),
            pltpu.SemaphoreType.DMA,
        ],
    )



@jax.jit
def kernel(x, w1a1, w1a2, b1a, w1b1, w1b2, b1b, w21, w22, b2, edge_index):
    n, f_in = x.shape
    h1 = w1a1.shape[1]
    h2 = w21.shape[1]
    e = edge_index.shape[1]

    epw = _NW * _IDX
    ep = ((e + epw - 1) // epw) * epw
    n_chunks = ep // epw
    src = jnp.concatenate(
        [edge_index[0], jnp.zeros((ep - e,), dtype=jnp.int32)])
    dst = jnp.concatenate(
        [edge_index[1], jnp.full((ep - e,), _N, dtype=jnp.int32)])
    src3 = src.reshape(_NW, n_chunks, _IDX)
    dst3 = dst.reshape(_NW, n_chunks, _IDX)

    pad = jnp.zeros((f_in - w1a1.shape[0], 2 * h1), dtype=jnp.float32)
    wg = jnp.concatenate(
        [jnp.concatenate([w1a1, w1b1], axis=1), pad], axis=0)
    ws = jnp.concatenate(
        [jnp.concatenate([w1a2, w1b2], axis=1), pad], axis=0)

    g1, s1 = pl.pallas_call(
        _tc1_body,
        out_shape=[jax.ShapeDtypeStruct((n, 2 * h1), jnp.float32),
                   jax.ShapeDtypeStruct((n, 2 * h1), jnp.float32)],
    )(x, wg, ws)

    z32 = jnp.zeros((_ROWS, 2 * h1), dtype=jnp.float32)
    a1 = _make_sc_agg(2 * h1, n_chunks)(g1, src3, dst3, z32)

    h = pl.pallas_call(
        _tc2_body,
        out_shape=jax.ShapeDtypeStruct((n, h1), jnp.float32),
    )(a1, s1, b1a.reshape(1, h1), b1b.reshape(1, h1))

    z16 = jnp.zeros((_ROWS, h1), dtype=jnp.float32)
    a2 = _make_sc_agg(h1, n_chunks)(h, src3, dst3, z16)

    return pl.pallas_call(
        _tc3_body,
        out_shape=jax.ShapeDtypeStruct((n, h2), jnp.float32),
    )(a2, h, w21, w22, b2.reshape(1, h2))

# --- scband reference (transcript-rebuilt; emitter-appended) ---
"""Pipeline reference for scband-gnn-11862699671977 (READ-ONLY COPY).

The authoritative reference and input builder live on the scoring server;
editing this copy changes nothing except your own understanding.
"""

import jax, jax.numpy as jnp
import numpy as np

N = 10000
E = 320000
F_IN = 128  # GraphMasking strips last column -> 127 real features
F = F_IN - 1
H1 = 16
H2 = 7

def _glorot(key, shape):
    lim = np.sqrt(6.0 / (shape[0] + shape[1]))
    return jax.random.uniform(key, shape, dtype=jnp.float32, minval=-lim, maxval=lim)

def setup_inputs(seed: int = 0) -> dict:
    key = jax.random.key(seed)
    ks = jax.random.split(key, 12)
    x = jax.random.normal(ks[0], (N, F_IN), dtype=jnp.float32)
    edge_index = jax.random.randint(ks[1], (2, E), 0, N, dtype=jnp.int32)
    # conv1: ARMAConv(16, iterations=1, order=2) -> 2 stacks, each (kernel_1, kernel_2, bias)
    w1a1 = _glorot(ks[2], (F, H1))
    w1a2 = _glorot(ks[3], (F, H1))
    b1a = jnp.zeros((H1,), dtype=jnp.float32)
    w1b1 = _glorot(ks[4], (F, H1))
    w1b2 = _glorot(ks[5], (F, H1))
    b1b = jnp.zeros((H1,), dtype=jnp.float32)
    # conv2: ARMAConv(7, iterations=1, order=1) -> 1 stack
    w21 = _glorot(ks[6], (H1, H2))
    w22 = _glorot(ks[7], (H1, H2))
    b2 = jnp.zeros((H2,), dtype=jnp.float32)
    return {"x": x, "w1a1": w1a1, "w1a2": w1a2, "b1a": b1a,
            "w1b1": w1b1, "w1b2": w1b2, "b1b": b1b,
            "w21": w21, "w22": w22, "b2": b2, "edge_index": edge_index}

def reference(x, w1a1, w1a2, b1a, w1b1, w1b2, b1b, w21, w22, b2, edge_index):
    # GraphMasking: strip mask column
    xm = x[:, :-1]
    src = edge_index[0]
    dst = edge_index[1]
    def agg(m):
        # A @ m via gather(src) + scatter-add(dst)
        return jax.ops.segment_sum(jnp.take(m, src, axis=0), dst, num_segments=N)
    # conv1: order=2 parallel stacks, iterations=1, gcn_activation=elu
    outs = []
    for (k1, k2, b) in ((w1a1, w1a2, b1a), (w1b1, w1b2, b1b)):
        h = agg(xm @ k1) + xm @ k2 + b  # dropout on skip is identity at inference
        h = jax.nn.elu(h)
        outs.append(h)
    h = jnp.mean(jnp.stack(outs, axis=-1), axis=-1)
    h = jax.nn.elu(h)  # activation='elu'
    # Dropout(0.6): identity at inference
    # conv2: order=1, iterations=1, gcn_activation=None, activation=softmax
    o = agg(h @ w21) + h @ w22 + b2
    o = jax.nn.softmax(o, axis=-1)
    return o

if __name__ == "__main__":
    import jax
    _d = setup_inputs()
    print(jax.jit(kernel)(*tuple(_d.values())))

</pallas_src>

<mosaic_0001>
#map = affine_map<(d0, d1) -> (0, 0)>
#map1 = affine_map<(d0, d1) -> (0, 0, 0)>
module attributes {stable_mosaic.version = 14 : i64} {
  func.func @body(%arg0: i32, %arg1: i32, %arg2: memref<10000x32xf32, #tpu.memory_space<hbm>>, %arg3: memref<32x79x128xi32, #tpu.memory_space<hbm>>, %arg4: memref<32x79x128xi32, #tpu.memory_space<hbm>>, %arg5: memref<10240x32xf32, #tpu.memory_space<hbm>>, %arg6: memref<2x10240x32xf32, #tpu.memory_space<hbm>>, %arg7: memref<79x128xi32, #tpu.memory_space<vmem>>, %arg8: memref<79x128xi32, #tpu.memory_space<vmem>>, %arg9: memref<128x32xf32, #tpu.memory_space<vmem>>, %arg10: memref<10240x32xf32, #tpu.memory_space<vmem_shared>>, %arg11: memref<!tpu.dma_semaphore, #tpu.memory_space<semaphore_mem>>) attributes {dimension_semantics = [#tpu.dimension_semantics<core_parallel>, #tpu.dimension_semantics<subcore_parallel>], iteration_bounds = array<i64: 2, 16>, scalar_prefetch = 0 : i64, scratch_operands = 5 : i64, tpu.core_type = #tpu.core_type<sc_vector_subcore>, window_params = [{transform_indices = #map}, {transform_indices = #map1}, {transform_indices = #map1}, {transform_indices = #map}, {transform_indices = #map1}]} {
    %mul3A = arith.constant 2 : i32
    %mul3A_0 = arith.muli %arg1, %mul3A : i32
    %add3A = arith.addi %mul3A_0, %arg0 : i32
    %mul3A_1 = arith.constant 640 : i32
    %mul3A_2 = arith.muli %arg1, %mul3A_1 : i32
    %mul3A_3 = arith.constant 640 : i32
    %mul3A_4 = arith.muli %arg1, %mul3A_3 : i32
    "tpu.region"() ({
      %run_scoped3A = tpu.sem_alloc : memref<!tpu.dma_semaphore, #tpu.memory_space<semaphore_mem>>
      %dma_start3A = arith.constant 0 : i32
      %dma_start3A_15 = tpu.memref_slice %arg10[%mul3A_4, %dma_start3A] : memref<10240x32xf32, #tpu.memory_space<vmem_shared>> -> memref<640x32xf32, #tpu.memory_space<vmem_shared>>
      %dma_start3A_16 = arith.constant 0 : i32
      %dma_start3A_17 = tpu.memref_slice %arg5[%mul3A_2, %dma_start3A_16] : memref<10240x32xf32, #tpu.memory_space<hbm>> -> memref<640x32xf32, #tpu.memory_space<hbm>>
      tpu.enqueue_dma source(%dma_start3A_17 : memref<640x32xf32, #tpu.memory_space<hbm>>) target(%dma_start3A_15 : memref<640x32xf32, #tpu.memory_space<vmem_shared>>) target_semaphore(%run_scoped3A : memref<!tpu.dma_semaphore, #tpu.memory_space<semaphore_mem>>)
      %dma_wait3A = arith.constant 0 : i32
      %dma_wait3A_18 = tpu.memref_slice %arg10[%mul3A_4, %dma_wait3A] : memref<10240x32xf32, #tpu.memory_space<vmem_shared>> -> memref<640x32xf32, #tpu.memory_space<vmem_shared>>
      %dma_wait3A_19 = arith.constant 0 : i32
      %dma_wait3A_20 = tpu.memref_slice %arg5[%mul3A_2, %dma_wait3A_19] : memref<10240x32xf32, #tpu.memory_space<hbm>> -> memref<640x32xf32, #tpu.memory_space<hbm>>
      tpu.wait_dma2 semaphore(%run_scoped3A : memref<!tpu.dma_semaphore, #tpu.memory_space<semaphore_mem>>) src(%dma_wait3A_20 : memref<640x32xf32, #tpu.memory_space<hbm>>) dst(%dma_wait3A_18 : memref<640x32xf32, #tpu.memory_space<vmem_shared>>)
      tpu.yield
    }) : () -> ()
    "tpu.region"() ({
      %run_scoped3A = tpu.sem_alloc : memref<!tpu.dma_semaphore, #tpu.memory_space<semaphore_mem>>
      %dma_start3A = arith.constant 0 : i32
      %dma_start3A_15 = arith.constant 0 : i32
      %dma_start3A_16 = tpu.memref_slice %arg3[%add3A, %dma_start3A, %dma_start3A_15] : memref<32x79x128xi32, #tpu.memory_space<hbm>> -> memref<1x79x128xi32, #tpu.memory_space<hbm>>
      %dma_start3A_17 = tpu.memref_squeeze %dma_start3A_16 : memref<1x79x128xi32, #tpu.memory_space<hbm>> -> memref<79x128xi32, #tpu.memory_space<hbm>>
      %dma_start3A_18 = arith.constant 0 : i32
      %dma_start3A_19 = arith.constant 0 : i32
      %dma_start3A_20 = tpu.memref_slice %arg3[%add3A, %dma_start3A_18, %dma_start3A_19] : memref<32x79x128xi32, #tpu.memory_space<hbm>> -> memref<1x79x128xi32, #tpu.memory_space<hbm>>
      %dma_start3A_21 = tpu.memref_squeeze %dma_start3A_20 : memref<1x79x128xi32, #tpu.memory_space<hbm>> -> memref<79x128xi32, #tpu.memory_space<hbm>>
      tpu.enqueue_dma source(%dma_start3A_21 : memref<79x128xi32, #tpu.memory_space<hbm>>) target(%arg7 : memref<79x128xi32, #tpu.memory_space<vmem>>) target_semaphore(%run_scoped3A : memref<!tpu.dma_semaphore, #tpu.memory_space<semaphore_mem>>)
      %dma_wait3A = arith.constant 0 : i32
      %dma_wait3A_22 = arith.constant 0 : i32
      %dma_wait3A_23 = tpu.memref_slice %arg3[%add3A, %dma_wait3A, %dma_wait3A_22] : memref<32x79x128xi32, #tpu.memory_space<hbm>> -> memref<1x79x128xi32, #tpu.memory_space<hbm>>
      %dma_wait3A_24 = tpu.memref_squeeze %dma_wait3A_23 : memref<1x79x128xi32, #tpu.memory_space<hbm>> -> memref<79x128xi32, #tpu.memory_space<hbm>>
      %dma_wait3A_25 = arith.constant 0 : i32
      %dma_wait3A_26 = arith.constant 0 : i32
      %dma_wait3A_27 = tpu.memref_slice %arg3[%add3A, %dma_wait3A_25, %dma_wait3A_26] : memref<32x79x128xi32, #tpu.memory_space<hbm>> -> memref<1x79x128xi32, #tpu.memory_space<hbm>>
      %dma_wait3A_28 = tpu.memref_squeeze %dma_wait3A_27 : memref<1x79x128xi32, #tpu.memory_space<hbm>> -> memref<79x128xi32, #tpu.memory_space<hbm>>
      tpu.wait_dma2 semaphore(%run_scoped3A : memref<!tpu.dma_semaphore, #tpu.memory_space<semaphore_mem>>) src(%dma_wait3A_28 : memref<79x128xi32, #tpu.memory_space<hbm>>) dst(%arg7 : memref<79x128xi32, #tpu.memory_space<vmem>>)
      tpu.yield
    }) : () -> ()
    "tpu.region"() ({
      %run_scoped3A = tpu.sem_alloc : memref<!tpu.dma_semaphore, #tpu.memory_space<semaphore_mem>>
      %dma_start3A = arith.constant 0 : i32
      %dma_start3A_15 = arith.constant 0 : i32
      %dma_start3A_16 = tpu.memref_slice %arg4[%add3A, %dma_start3A, %dma_start3A_15] : memref<32x79x128xi32, #tpu.memory_space<hbm>> -> memref<1x79x128xi32, #tpu.memory_space<hbm>>
      %dma_start3A_17 = tpu.memref_squeeze %dma_start3A_16 : memref<1x79x128xi32, #tpu.memory_space<hbm>> -> memref<79x128xi32, #tpu.memory_space<hbm>>
      %dma_start3A_18 = arith.constant 0 : i32
      %dma_start3A_19 = arith.constant 0 : i32
      %dma_start3A_20 = tpu.memref_slice %arg4[%add3A, %dma_start3A_18, %dma_start3A_19] : memref<32x79x128xi32, #tpu.memory_space<hbm>> -> memref<1x79x128xi32, #tpu.memory_space<hbm>>
      %dma_start3A_21 = tpu.memref_squeeze %dma_start3A_20 : memref<1x79x128xi32, #tpu.memory_space<hbm>> -> memref<79x128xi32, #tpu.memory_space<hbm>>
      tpu.enqueue_dma source(%dma_start3A_21 : memref<79x128xi32, #tpu.memory_space<hbm>>) target(%arg8 : memref<79x128xi32, #tpu.memory_space<vmem>>) target_semaphore(%run_scoped3A : memref<!tpu.dma_semaphore, #tpu.memory_space<semaphore_mem>>)
      %dma_wait3A = arith.constant 0 : i32
      %dma_wait3A_22 = arith.constant 0 : i32
      %dma_wait3A_23 = tpu.memref_slice %arg4[%add3A, %dma_wait3A, %dma_wait3A_22] : memref<32x79x128xi32, #tpu.memory_space<hbm>> -> memref<1x79x128xi32, #tpu.memory_space<hbm>>
      %dma_wait3A_24 = tpu.memref_squeeze %dma_wait3A_23 : memref<1x79x128xi32, #tpu.memory_space<hbm>> -> memref<79x128xi32, #tpu.memory_space<hbm>>
      %dma_wait3A_25 = arith.constant 0 : i32
      %dma_wait3A_26 = arith.constant 0 : i32
      %dma_wait3A_27 = tpu.memref_slice %arg4[%add3A, %dma_wait3A_25, %dma_wait3A_26] : memref<32x79x128xi32, #tpu.memory_space<hbm>> -> memref<1x79x128xi32, #tpu.memory_space<hbm>>
      %dma_wait3A_28 = tpu.memref_squeeze %dma_wait3A_27 : memref<1x79x128xi32, #tpu.memory_space<hbm>> -> memref<79x128xi32, #tpu.memory_space<hbm>>
      tpu.wait_dma2 semaphore(%run_scoped3A : memref<!tpu.dma_semaphore, #tpu.memory_space<semaphore_mem>>) src(%dma_wait3A_28 : memref<79x128xi32, #tpu.memory_space<hbm>>) dst(%arg8 : memref<79x128xi32, #tpu.memory_space<vmem>>)
      tpu.yield
    }) : () -> ()
    %barrier3A = arith.constant 0 : index
    tpu.barrier barrier_id(%barrier3A)
    %scan3A = arith.constant 0 : i32
    %scan3A_5 = arith.constant 0 : i32
    %scan3A_6 = arith.constant 79 : i32
    %scan3A_7 = arith.addi %scan3A_5, %scan3A_6 : i32
    %scan3A_8 = arith.constant 1 : i32
    scf.for %scan3A_15 = %scan3A_5 to %scan3A_7 step %scan3A_8  : i32 {
      %dma_start3A = arith.constant 0 : i32
      %dma_start3A_16 = tpu.memref_slice %arg7[%scan3A_15, %dma_start3A] : memref<79x128xi32, #tpu.memory_space<vmem>> -> memref<1x128xi32, #tpu.memory_space<vmem>>
      %dma_start3A_17 = tpu.memref_squeeze %dma_start3A_16 : memref<1x128xi32, #tpu.memory_space<vmem>> -> memref<128xi32, #tpu.memory_space<vmem>>
      %dma_start3A_18 = arith.constant 0 : i32
      %dma_start3A_19 = arith.constant 0 : i32
      %dma_start3A_20 = tpu.memref_slice %arg2[%dma_start3A_18, %dma_start3A_19] : memref<10000x32xf32, #tpu.memory_space<hbm>> -> memref<10000x32xf32, #tpu.memory_space<hbm>>
      tpu.enqueue_indirect_dma source(%dma_start3A_20 : memref<10000x32xf32, #tpu.memory_space<hbm>>) target(%arg9 : memref<128x32xf32, #tpu.memory_space<vmem>>) offsets(%dma_start3A_17 : memref<128xi32, #tpu.memory_space<vmem>>) semaphore(%arg11 : memref<!tpu.dma_semaphore, #tpu.memory_space<semaphore_mem>>)
      %dma_wait3A = arith.constant 0 : i32
      %dma_wait3A_21 = tpu.memref_slice %arg7[%scan3A_15, %dma_wait3A] : memref<79x128xi32, #tpu.memory_space<vmem>> -> memref<1x128xi32, #tpu.memory_space<vmem>>
      %dma_wait3A_22 = tpu.memref_squeeze %dma_wait3A_21 : memref<1x128xi32, #tpu.memory_space<vmem>> -> memref<128xi32, #tpu.memory_space<vmem>>
      %dma_wait3A_23 = arith.constant 0 : i32
      %dma_wait3A_24 = arith.constant 0 : i32
      %dma_wait3A_25 = tpu.memref_slice %arg2[%dma_wait3A_23, %dma_wait3A_24] : memref<10000x32xf32, #tpu.memory_space<hbm>> -> memref<10000x32xf32, #tpu.memory_space<hbm>>
      tpu.wait_indirect_dma semaphore(%arg11 : memref<!tpu.dma_semaphore, #tpu.memory_space<semaphore_mem>>) src(%dma_wait3A_25 : memref<10000x32xf32, #tpu.memory_space<hbm>>) dst(%arg9 : memref<128x32xf32, #tpu.memory_space<vmem>>)
      "tpu.region"() ({
        %run_scoped3A = tpu.sem_alloc : memref<!tpu.dma_semaphore, #tpu.memory_space<semaphore_mem>>
        %dma_start3A_26 = arith.constant 0 : i32
        %dma_start3A_27 = tpu.memref_slice %arg8[%scan3A_15, %dma_start3A_26] : memref<79x128xi32, #tpu.memory_space<vmem>> -> memref<1x128xi32, #tpu.memory_space<vmem>>
        %dma_start3A_28 = tpu.memref_squeeze %dma_start3A_27 : memref<1x128xi32, #tpu.memory_space<vmem>> -> memref<128xi32, #tpu.memory_space<vmem>>
        %dma_start3A_29 = arith.constant 0 : i32
        %dma_start3A_30 = arith.constant 0 : i32
        %dma_start3A_31 = tpu.memref_slice %arg10[%dma_start3A_29, %dma_start3A_30] : memref<10240x32xf32, #tpu.memory_space<vmem_shared>> -> memref<10240x32xf32, #tpu.memory_space<vmem_shared>>
        tpu.enqueue_indirect_dma source(%arg9 : memref<128x32xf32, #tpu.memory_space<vmem>>) target(%dma_start3A_31 : memref<10240x32xf32, #tpu.memory_space<vmem_shared>>) offsets(%dma_start3A_28 : memref<128xi32, #tpu.memory_space<vmem>>) semaphore(%run_scoped3A : memref<!tpu.dma_semaphore, #tpu.memory_space<semaphore_mem>>) {add = true}
        %dma_wait3A_32 = arith.constant 0 : i32
        %dma_wait3A_33 = tpu.memref_slice %arg8[%scan3A_15, %dma_wait3A_32] : memref<79x128xi32, #tpu.memory_space<vmem>> -> memref<1x128xi32, #tpu.memory_space<vmem>>
        %dma_wait3A_34 = tpu.memref_squeeze %dma_wait3A_33 : memref<1x128xi32, #tpu.memory_space<vmem>> -> memref<128xi32, #tpu.memory_space<vmem>>
        %dma_wait3A_35 = arith.constant 0 : i32
        %dma_wait3A_36 = arith.constant 0 : i32
        %dma_wait3A_37 = tpu.memref_slice %arg10[%dma_wait3A_35, %dma_wait3A_36] : memref<10240x32xf32, #tpu.memory_space<vmem_shared>> -> memref<10240x32xf32, #tpu.memory_space<vmem_shared>>
        tpu.wait_indirect_dma semaphore(%run_scoped3A : memref<!tpu.dma_semaphore, #tpu.memory_space<semaphore_mem>>) src(%arg9 : memref<128x32xf32, #tpu.memory_space<vmem>>) dst(%dma_wait3A_37 : memref<10240x32xf32, #tpu.memory_space<vmem_shared>>)
        tpu.yield
      }) : () -> ()
    }
    %scan3A_9 = arith.constant 79 : i32
    %barrier3A_10 = arith.constant 0 : index
    tpu.barrier barrier_id(%barrier3A_10)
    %mul3A_11 = arith.constant 640 : i32
    %mul3A_12 = arith.muli %arg1, %mul3A_11 : i32
    %mul3A_13 = arith.constant 640 : i32
    %mul3A_14 = arith.muli %arg1, %mul3A_13 : i32
    "tpu.region"() ({
      %run_scoped3A = tpu.sem_alloc : memref<!tpu.dma_semaphore, #tpu.memory_space<semaphore_mem>>
      %dma_start3A = arith.constant 0 : i32
      %dma_start3A_15 = tpu.memref_slice %arg6[%arg0, %mul3A_14, %dma_start3A] : memref<2x10240x32xf32, #tpu.memory_space<hbm>> -> memref<1x640x32xf32, #tpu.memory_space<hbm>>
      %dma_start3A_16 = tpu.memref_squeeze %dma_start3A_15 : memref<1x640x32xf32, #tpu.memory_space<hbm>> -> memref<640x32xf32, #tpu.memory_space<hbm>>
      %dma_start3A_17 = arith.constant 0 : i32
      %dma_start3A_18 = tpu.memref_slice %arg10[%mul3A_12, %dma_start3A_17] : memref<10240x32xf32, #tpu.memory_space<vmem_shared>> -> memref<640x32xf32, #tpu.memory_space<vmem_shared>>
      tpu.enqueue_dma source(%dma_start3A_18 : memref<640x32xf32, #tpu.memory_space<vmem_shared>>) target(%dma_start3A_16 : memref<640x32xf32, #tpu.memory_space<hbm>>) target_semaphore(%run_scoped3A : memref<!tpu.dma_semaphore, #tpu.memory_space<semaphore_mem>>)
      %dma_wait3A = arith.constant 0 : i32
      %dma_wait3A_19 = tpu.memref_slice %arg6[%arg0, %mul3A_14, %dma_wait3A] : memref<2x10240x32xf32, #tpu.memory_space<hbm>> -> memref<1x640x32xf32, #tpu.memory_space<hbm>>
      %dma_wait3A_20 = tpu.memref_squeeze %dma_wait3A_19 : memref<1x640x32xf32, #tpu.memory_space<hbm>> -> memref<640x32xf32, #tpu.memory_space<hbm>>
      %dma_wait3A_21 = arith.constant 0 : i32
      %dma_wait3A_22 = tpu.memref_slice %arg10[%mul3A_12, %dma_wait3A_21] : memref<10240x32xf32, #tpu.memory_space<vmem_shared>> -> memref<640x32xf32, #tpu.memory_space<vmem_shared>>
      tpu.wait_dma2 semaphore(%run_scoped3A : memref<!tpu.dma_semaphore, #tpu.memory_space<semaphore_mem>>) src(%dma_wait3A_22 : memref<640x32xf32, #tpu.memory_space<vmem_shared>>) dst(%dma_wait3A_20 : memref<640x32xf32, #tpu.memory_space<hbm>>)
      tpu.yield
    }) : () -> ()
    return
  }
}

#map = affine_map<(d0, d1) -> (0, 0)>
#map1 = affine_map<(d0, d1) -> (0, 0, 0)>
module attributes {stable_mosaic.version = 14 : i64} {
  func.func @body(%arg0: i32, %arg1: i32, %arg2: memref<10000x16xf32, #tpu.memory_space<hbm>>, %arg3: memref<32x79x128xi32, #tpu.memory_space<hbm>>, %arg4: memref<32x79x128xi32, #tpu.memory_space<hbm>>, %arg5: memref<10240x16xf32, #tpu.memory_space<hbm>>, %arg6: memref<2x10240x16xf32, #tpu.memory_space<hbm>>, %arg7: memref<79x128xi32, #tpu.memory_space<vmem>>, %arg8: memref<79x128xi32, #tpu.memory_space<vmem>>, %arg9: memref<128x16xf32, #tpu.memory_space<vmem>>, %arg10: memref<10240x16xf32, #tpu.memory_space<vmem_shared>>, %arg11: memref<!tpu.dma_semaphore, #tpu.memory_space<semaphore_mem>>) attributes {dimension_semantics = [#tpu.dimension_semantics<core_parallel>, #tpu.dimension_semantics<subcore_parallel>], iteration_bounds = array<i64: 2, 16>, scalar_prefetch = 0 : i64, scratch_operands = 5 : i64, tpu.core_type = #tpu.core_type<sc_vector_subcore>, window_params = [{transform_indices = #map}, {transform_indices = #map1}, {transform_indices = #map1}, {transform_indices = #map}, {transform_indices = #map1}]} {
    %mul3A = arith.constant 2 : i32
    %mul3A_0 = arith.muli %arg1, %mul3A : i32
    %add3A = arith.addi %mul3A_0, %arg0 : i32
    %mul3A_1 = arith.constant 640 : i32
    %mul3A_2 = arith.muli %arg1, %mul3A_1 : i32
    %mul3A_3 = arith.constant 640 : i32
    %mul3A_4 = arith.muli %arg1, %mul3A_3 : i32
    "tpu.region"() ({
      %run_scoped3A = tpu.sem_alloc : memref<!tpu.dma_semaphore, #tpu.memory_space<semaphore_mem>>
      %dma_start3A = arith.constant 0 : i32
      %dma_start3A_15 = tpu.memref_slice %arg10[%mul3A_4, %dma_start3A] : memref<10240x16xf32, #tpu.memory_space<vmem_shared>> -> memref<640x16xf32, #tpu.memory_space<vmem_shared>>
      %dma_start3A_16 = arith.constant 0 : i32
      %dma_start3A_17 = tpu.memref_slice %arg5[%mul3A_2, %dma_start3A_16] : memref<10240x16xf32, #tpu.memory_space<hbm>> -> memref<640x16xf32, #tpu.memory_space<hbm>>
      tpu.enqueue_dma source(%dma_start3A_17 : memref<640x16xf32, #tpu.memory_space<hbm>>) target(%dma_start3A_15 : memref<640x16xf32, #tpu.memory_space<vmem_shared>>) target_semaphore(%run_scoped3A : memref<!tpu.dma_semaphore, #tpu.memory_space<semaphore_mem>>)
      %dma_wait3A = arith.constant 0 : i32
      %dma_wait3A_18 = tpu.memref_slice %arg10[%mul3A_4, %dma_wait3A] : memref<10240x16xf32, #tpu.memory_space<vmem_shared>> -> memref<640x16xf32, #tpu.memory_space<vmem_shared>>
      %dma_wait3A_19 = arith.constant 0 : i32
      %dma_wait3A_20 = tpu.memref_slice %arg5[%mul3A_2, %dma_wait3A_19] : memref<10240x16xf32, #tpu.memory_space<hbm>> -> memref<640x16xf32, #tpu.memory_space<hbm>>
      tpu.wait_dma2 semaphore(%run_scoped3A : memref<!tpu.dma_semaphore, #tpu.memory_space<semaphore_mem>>) src(%dma_wait3A_20 : memref<640x16xf32, #tpu.memory_space<hbm>>) dst(%dma_wait3A_18 : memref<640x16xf32, #tpu.memory_space<vmem_shared>>)
      tpu.yield
    }) : () -> ()
    "tpu.region"() ({
      %run_scoped3A = tpu.sem_alloc : memref<!tpu.dma_semaphore, #tpu.memory_space<semaphore_mem>>
      %dma_start3A = arith.constant 0 : i32
      %dma_start3A_15 = arith.constant 0 : i32
      %dma_start3A_16 = tpu.memref_slice %arg3[%add3A, %dma_start3A, %dma_start3A_15] : memref<32x79x128xi32, #tpu.memory_space<hbm>> -> memref<1x79x128xi32, #tpu.memory_space<hbm>>
      %dma_start3A_17 = tpu.memref_squeeze %dma_start3A_16 : memref<1x79x128xi32, #tpu.memory_space<hbm>> -> memref<79x128xi32, #tpu.memory_space<hbm>>
      %dma_start3A_18 = arith.constant 0 : i32
      %dma_start3A_19 = arith.constant 0 : i32
      %dma_start3A_20 = tpu.memref_slice %arg3[%add3A, %dma_start3A_18, %dma_start3A_19] : memref<32x79x128xi32, #tpu.memory_space<hbm>> -> memref<1x79x128xi32, #tpu.memory_space<hbm>>
      %dma_start3A_21 = tpu.memref_squeeze %dma_start3A_20 : memref<1x79x128xi32, #tpu.memory_space<hbm>> -> memref<79x128xi32, #tpu.memory_space<hbm>>
      tpu.enqueue_dma source(%dma_start3A_21 : memref<79x128xi32, #tpu.memory_space<hbm>>) target(%arg7 : memref<79x128xi32, #tpu.memory_space<vmem>>) target_semaphore(%run_scoped3A : memref<!tpu.dma_semaphore, #tpu.memory_space<semaphore_mem>>)
      %dma_wait3A = arith.constant 0 : i32
      %dma_wait3A_22 = arith.constant 0 : i32
      %dma_wait3A_23 = tpu.memref_slice %arg3[%add3A, %dma_wait3A, %dma_wait3A_22] : memref<32x79x128xi32, #tpu.memory_space<hbm>> -> memref<1x79x128xi32, #tpu.memory_space<hbm>>
      %dma_wait3A_24 = tpu.memref_squeeze %dma_wait3A_23 : memref<1x79x128xi32, #tpu.memory_space<hbm>> -> memref<79x128xi32, #tpu.memory_space<hbm>>
      %dma_wait3A_25 = arith.constant 0 : i32
      %dma_wait3A_26 = arith.constant 0 : i32
      %dma_wait3A_27 = tpu.memref_slice %arg3[%add3A, %dma_wait3A_25, %dma_wait3A_26] : memref<32x79x128xi32, #tpu.memory_space<hbm>> -> memref<1x79x128xi32, #tpu.memory_space<hbm>>
      %dma_wait3A_28 = tpu.memref_squeeze %dma_wait3A_27 : memref<1x79x128xi32, #tpu.memory_space<hbm>> -> memref<79x128xi32, #tpu.memory_space<hbm>>
      tpu.wait_dma2 semaphore(%run_scoped3A : memref<!tpu.dma_semaphore, #tpu.memory_space<semaphore_mem>>) src(%dma_wait3A_28 : memref<79x128xi32, #tpu.memory_space<hbm>>) dst(%arg7 : memref<79x128xi32, #tpu.memory_space<vmem>>)
      tpu.yield
    }) : () -> ()
    "tpu.region"() ({
      %run_scoped3A = tpu.sem_alloc : memref<!tpu.dma_semaphore, #tpu.memory_space<semaphore_mem>>
      %dma_start3A = arith.constant 0 : i32
      %dma_start3A_15 = arith.constant 0 : i32
      %dma_start3A_16 = tpu.memref_slice %arg4[%add3A, %dma_start3A, %dma_start3A_15] : memref<32x79x128xi32, #tpu.memory_space<hbm>> -> memref<1x79x128xi32, #tpu.memory_space<hbm>>
      %dma_start3A_17 = tpu.memref_squeeze %dma_start3A_16 : memref<1x79x128xi32, #tpu.memory_space<hbm>> -> memref<79x128xi32, #tpu.memory_space<hbm>>
      %dma_start3A_18 = arith.constant 0 : i32
      %dma_start3A_19 = arith.constant 0 : i32
      %dma_start3A_20 = tpu.memref_slice %arg4[%add3A, %dma_start3A_18, %dma_start3A_19] : memref<32x79x128xi32, #tpu.memory_space<hbm>> -> memref<1x79x128xi32, #tpu.memory_space<hbm>>
      %dma_start3A_21 = tpu.memref_squeeze %dma_start3A_20 : memref<1x79x128xi32, #tpu.memory_space<hbm>> -> memref<79x128xi32, #tpu.memory_space<hbm>>
      tpu.enqueue_dma source(%dma_start3A_21 : memref<79x128xi32, #tpu.memory_space<hbm>>) target(%arg8 : memref<79x128xi32, #tpu.memory_space<vmem>>) target_semaphore(%run_scoped3A : memref<!tpu.dma_semaphore, #tpu.memory_space<semaphore_mem>>)
      %dma_wait3A = arith.constant 0 : i32
      %dma_wait3A_22 = arith.constant 0 : i32
      %dma_wait3A_23 = tpu.memref_slice %arg4[%add3A, %dma_wait3A, %dma_wait3A_22] : memref<32x79x128xi32, #tpu.memory_space<hbm>> -> memref<1x79x128xi32, #tpu.memory_space<hbm>>
      %dma_wait3A_24 = tpu.memref_squeeze %dma_wait3A_23 : memref<1x79x128xi32, #tpu.memory_space<hbm>> -> memref<79x128xi32, #tpu.memory_space<hbm>>
      %dma_wait3A_25 = arith.constant 0 : i32
      %dma_wait3A_26 = arith.constant 0 : i32
      %dma_wait3A_27 = tpu.memref_slice %arg4[%add3A, %dma_wait3A_25, %dma_wait3A_26] : memref<32x79x128xi32, #tpu.memory_space<hbm>> -> memref<1x79x128xi32, #tpu.memory_space<hbm>>
      %dma_wait3A_28 = tpu.memref_squeeze %dma_wait3A_27 : memref<1x79x128xi32, #tpu.memory_space<hbm>> -> memref<79x128xi32, #tpu.memory_space<hbm>>
      tpu.wait_dma2 semaphore(%run_scoped3A : memref<!tpu.dma_semaphore, #tpu.memory_space<semaphore_mem>>) src(%dma_wait3A_28 : memref<79x128xi32, #tpu.memory_space<hbm>>) dst(%arg8 : memref<79x128xi32, #tpu.memory_space<vmem>>)
      tpu.yield
    }) : () -> ()
    %barrier3A = arith.constant 0 : index
    tpu.barrier barrier_id(%barrier3A)
    %scan3A = arith.constant 0 : i32
    %scan3A_5 = arith.constant 0 : i32
    %scan3A_6 = arith.constant 79 : i32
    %scan3A_7 = arith.addi %scan3A_5, %scan3A_6 : i32
    %scan3A_8 = arith.constant 1 : i32
    scf.for %scan3A_15 = %scan3A_5 to %scan3A_7 step %scan3A_8  : i32 {
      %dma_start3A = arith.constant 0 : i32
      %dma_start3A_16 = tpu.memref_slice %arg7[%scan3A_15, %dma_start3A] : memref<79x128xi32, #tpu.memory_space<vmem>> -> memref<1x128xi32, #tpu.memory_space<vmem>>
      %dma_start3A_17 = tpu.memref_squeeze %dma_start3A_16 : memref<1x128xi32, #tpu.memory_space<vmem>> -> memref<128xi32, #tpu.memory_space<vmem>>
      %dma_start3A_18 = arith.constant 0 : i32
      %dma_start3A_19 = arith.constant 0 : i32
      %dma_start3A_20 = tpu.memref_slice %arg2[%dma_start3A_18, %dma_start3A_19] : memref<10000x16xf32, #tpu.memory_space<hbm>> -> memref<10000x16xf32, #tpu.memory_space<hbm>>
      tpu.enqueue_indirect_dma source(%dma_start3A_20 : memref<10000x16xf32, #tpu.memory_space<hbm>>) target(%arg9 : memref<128x16xf32, #tpu.memory_space<vmem>>) offsets(%dma_start3A_17 : memref<128xi32, #tpu.memory_space<vmem>>) semaphore(%arg11 : memref<!tpu.dma_semaphore, #tpu.memory_space<semaphore_mem>>)
      %dma_wait3A = arith.constant 0 : i32
      %dma_wait3A_21 = tpu.memref_slice %arg7[%scan3A_15, %dma_wait3A] : memref<79x128xi32, #tpu.memory_space<vmem>> -> memref<1x128xi32, #tpu.memory_space<vmem>>
      %dma_wait3A_22 = tpu.memref_squeeze %dma_wait3A_21 : memref<1x128xi32, #tpu.memory_space<vmem>> -> memref<128xi32, #tpu.memory_space<vmem>>
      %dma_wait3A_23 = arith.constant 0 : i32
      %dma_wait3A_24 = arith.constant 0 : i32
      %dma_wait3A_25 = tpu.memref_slice %arg2[%dma_wait3A_23, %dma_wait3A_24] : memref<10000x16xf32, #tpu.memory_space<hbm>> -> memref<10000x16xf32, #tpu.memory_space<hbm>>
      tpu.wait_indirect_dma semaphore(%arg11 : memref<!tpu.dma_semaphore, #tpu.memory_space<semaphore_mem>>) src(%dma_wait3A_25 : memref<10000x16xf32, #tpu.memory_space<hbm>>) dst(%arg9 : memref<128x16xf32, #tpu.memory_space<vmem>>)
      "tpu.region"() ({
        %run_scoped3A = tpu.sem_alloc : memref<!tpu.dma_semaphore, #tpu.memory_space<semaphore_mem>>
        %dma_start3A_26 = arith.constant 0 : i32
        %dma_start3A_27 = tpu.memref_slice %arg8[%scan3A_15, %dma_start3A_26] : memref<79x128xi32, #tpu.memory_space<vmem>> -> memref<1x128xi32, #tpu.memory_space<vmem>>
        %dma_start3A_28 = tpu.memref_squeeze %dma_start3A_27 : memref<1x128xi32, #tpu.memory_space<vmem>> -> memref<128xi32, #tpu.memory_space<vmem>>
        %dma_start3A_29 = arith.constant 0 : i32
        %dma_start3A_30 = arith.constant 0 : i32
        %dma_start3A_31 = tpu.memref_slice %arg10[%dma_start3A_29, %dma_start3A_30] : memref<10240x16xf32, #tpu.memory_space<vmem_shared>> -> memref<10240x16xf32, #tpu.memory_space<vmem_shared>>
        tpu.enqueue_indirect_dma source(%arg9 : memref<128x16xf32, #tpu.memory_space<vmem>>) target(%dma_start3A_31 : memref<10240x16xf32, #tpu.memory_space<vmem_shared>>) offsets(%dma_start3A_28 : memref<128xi32, #tpu.memory_space<vmem>>) semaphore(%run_scoped3A : memref<!tpu.dma_semaphore, #tpu.memory_space<semaphore_mem>>) {add = true}
        %dma_wait3A_32 = arith.constant 0 : i32
        %dma_wait3A_33 = tpu.memref_slice %arg8[%scan3A_15, %dma_wait3A_32] : memref<79x128xi32, #tpu.memory_space<vmem>> -> memref<1x128xi32, #tpu.memory_space<vmem>>
        %dma_wait3A_34 = tpu.memref_squeeze %dma_wait3A_33 : memref<1x128xi32, #tpu.memory_space<vmem>> -> memref<128xi32, #tpu.memory_space<vmem>>
        %dma_wait3A_35 = arith.constant 0 : i32
        %dma_wait3A_36 = arith.constant 0 : i32
        %dma_wait3A_37 = tpu.memref_slice %arg10[%dma_wait3A_35, %dma_wait3A_36] : memref<10240x16xf32, #tpu.memory_space<vmem_shared>> -> memref<10240x16xf32, #tpu.memory_space<vmem_shared>>
        tpu.wait_indirect_dma semaphore(%run_scoped3A : memref<!tpu.dma_semaphore, #tpu.memory_space<semaphore_mem>>) src(%arg9 : memref<128x16xf32, #tpu.memory_space<vmem>>) dst(%dma_wait3A_37 : memref<10240x16xf32, #tpu.memory_space<vmem_shared>>)
        tpu.yield
      }) : () -> ()
    }
    %scan3A_9 = arith.constant 79 : i32
    %barrier3A_10 = arith.constant 0 : index
    tpu.barrier barrier_id(%barrier3A_10)
    %mul3A_11 = arith.constant 640 : i32
    %mul3A_12 = arith.muli %arg1, %mul3A_11 : i32
    %mul3A_13 = arith.constant 640 : i32
    %mul3A_14 = arith.muli %arg1, %mul3A_13 : i32
    "tpu.region"() ({
      %run_scoped3A = tpu.sem_alloc : memref<!tpu.dma_semaphore, #tpu.memory_space<semaphore_mem>>
      %dma_start3A = arith.constant 0 : i32
      %dma_start3A_15 = tpu.memref_slice %arg6[%arg0, %mul3A_14, %dma_start3A] : memref<2x10240x16xf32, #tpu.memory_space<hbm>> -> memref<1x640x16xf32, #tpu.memory_space<hbm>>
      %dma_start3A_16 = tpu.memref_squeeze %dma_start3A_15 : memref<1x640x16xf32, #tpu.memory_space<hbm>> -> memref<640x16xf32, #tpu.memory_space<hbm>>
      %dma_start3A_17 = arith.constant 0 : i32
      %dma_start3A_18 = tpu.memref_slice %arg10[%mul3A_12, %dma_start3A_17] : memref<10240x16xf32, #tpu.memory_space<vmem_shared>> -> memref<640x16xf32, #tpu.memory_space<vmem_shared>>
      tpu.enqueue_dma source(%dma_start3A_18 : memref<640x16xf32, #tpu.memory_space<vmem_shared>>) target(%dma_start3A_16 : memref<640x16xf32, #tpu.memory_space<hbm>>) target_semaphore(%run_scoped3A : memref<!tpu.dma_semaphore, #tpu.memory_space<semaphore_mem>>)
      %dma_wait3A = arith.constant 0 : i32
      %dma_wait3A_19 = tpu.memref_slice %arg6[%arg0, %mul3A_14, %dma_wait3A] : memref<2x10240x16xf32, #tpu.memory_space<hbm>> -> memref<1x640x16xf32, #tpu.memory_space<hbm>>
      %dma_wait3A_20 = tpu.memref_squeeze %dma_wait3A_19 : memref<1x640x16xf32, #tpu.memory_space<hbm>> -> memref<640x16xf32, #tpu.memory_space<hbm>>
      %dma_wait3A_21 = arith.constant 0 : i32
      %dma_wait3A_22 = tpu.memref_slice %arg10[%mul3A_12, %dma_wait3A_21] : memref<10240x16xf32, #tpu.memory_space<vmem_shared>> -> memref<640x16xf32, #tpu.memory_space<vmem_shared>>
      tpu.wait_dma2 semaphore(%run_scoped3A : memref<!tpu.dma_semaphore, #tpu.memory_space<semaphore_mem>>) src(%dma_wait3A_22 : memref<640x16xf32, #tpu.memory_space<vmem_shared>>) dst(%dma_wait3A_20 : memref<640x16xf32, #tpu.memory_space<hbm>>)
      tpu.yield
    }) : () -> ()
    return
  }
}

module attributes {stable_mosaic.version = 14 : i64} {
  func.func @_tc1_body(%arg0: memref<10000x128xf32, #tpu.memory_space<vmem>>, %arg1: memref<128x32xf32, #tpu.memory_space<vmem>>, %arg2: memref<128x32xf32, #tpu.memory_space<vmem>>, %arg3: memref<10000x32xf32, #tpu.memory_space<vmem>>, %arg4: memref<10000x32xf32, #tpu.memory_space<vmem>>) attributes {dimension_semantics = [], scalar_prefetch = 0 : i64, scratch_operands = 0 : i64, tpu.core_type = #tpu.core_type<tc>} {
    %get3A = arith.constant 0 : index
    %get3A_0 = arith.constant 0 : index
    %get3A_1 = vector.load %arg0[%get3A, %get3A_0] : memref<10000x128xf32, #tpu.memory_space<vmem>>, vector<10000x128xf32>
    %get3A_2 = arith.constant 0 : index
    %get3A_3 = arith.constant 0 : index
    %get3A_4 = vector.load %arg1[%get3A_2, %get3A_3] : memref<128x32xf32, #tpu.memory_space<vmem>>, vector<128x32xf32>
    %dot_general3A = arith.constant dense<0.000000e+00> : vector<10000x32xf32>
    %dot_general3A_5 = tpu.matmul %get3A_1, %get3A_4, %dot_general3A {dimension_numbers = #tpu.dot_dimension_numbers<[1], [0], [0], [1], [0, 0, 1, 1], [], []>, transpose_lhs_hint = false} : vector<10000x128xf32>, vector<128x32xf32>, vector<10000x32xf32> -> vector<10000x32xf32>
    %swap3A = arith.constant 0 : index
    %swap3A_6 = arith.constant 0 : index
    %swap3A_7 = vector.load %arg3[%swap3A, %swap3A_6] : memref<10000x32xf32, #tpu.memory_space<vmem>>, vector<10000x32xf32>
    tpu.vector_store %arg3[%swap3A, %swap3A_6], %dot_general3A_5 {strides = array<i32>} : memref<10000x32xf32, #tpu.memory_space<vmem>>, vector<10000x32xf32>,
    %get3A_8 = arith.constant 0 : index
    %get3A_9 = arith.constant 0 : index
    %get3A_10 = vector.load %arg2[%get3A_8, %get3A_9] : memref<128x32xf32, #tpu.memory_space<vmem>>, vector<128x32xf32>
    %dot_general3A_11 = arith.constant dense<0.000000e+00> : vector<10000x32xf32>
    %dot_general3A_12 = tpu.matmul %get3A_1, %get3A_10, %dot_general3A_11 {dimension_numbers = #tpu.dot_dimension_numbers<[1], [0], [0], [1], [0, 0, 1, 1], [], []>, transpose_lhs_hint = false} : vector<10000x128xf32>, vector<128x32xf32>, vector<10000x32xf32> -> vector<10000x32xf32>
    %swap3A_13 = arith.constant 0 : index
    %swap3A_14 = arith.constant 0 : index
    %swap3A_15 = vector.load %arg4[%swap3A_13, %swap3A_14] : memref<10000x32xf32, #tpu.memory_space<vmem>>, vector<10000x32xf32>
    tpu.vector_store %arg4[%swap3A_13, %swap3A_14], %dot_general3A_12 {strides = array<i32>} : memref<10000x32xf32, #tpu.memory_space<vmem>>, vector<10000x32xf32>,
    return
  }
}

module attributes {stable_mosaic.version = 14 : i64} {
  func.func @_tc2_body(%arg0: memref<2x10240x32xf32, #tpu.memory_space<vmem>>, %arg1: memref<10000x32xf32, #tpu.memory_space<vmem>>, %arg2: memref<1x16xf32, #tpu.memory_space<vmem>>, %arg3: memref<1x16xf32, #tpu.memory_space<vmem>>, %arg4: memref<10000x16xf32, #tpu.memory_space<vmem>>) attributes {dimension_semantics = [], scalar_prefetch = 0 : i64, scratch_operands = 0 : i64, tpu.core_type = #tpu.core_type<tc>} {
    %get3A = arith.constant 0 : index
    %get3A_0 = arith.constant 0 : index
    %get3A_1 = arith.constant 0 : index
    %get3A_2 = vector.load %arg0[%get3A, %get3A_0, %get3A_1] : memref<2x10240x32xf32, #tpu.memory_space<vmem>>, vector<1x10240x32xf32>
    %get3A_3 = vector.shape_cast %get3A_2 : vector<1x10240x32xf32> to vector<10240x32xf32>
    %get3A_4 = arith.constant 1 : index
    %get3A_5 = arith.constant 0 : index
    %get3A_6 = arith.constant 0 : index
    %get3A_7 = vector.load %arg0[%get3A_4, %get3A_5, %get3A_6] : memref<2x10240x32xf32, #tpu.memory_space<vmem>>, vector<1x10240x32xf32>
    %get3A_8 = vector.shape_cast %get3A_7 : vector<1x10240x32xf32> to vector<10240x32xf32>
    %add3A = arith.addf %get3A_3, %get3A_8 : vector<10240x32xf32>
    %slice3A = vector.extract_strided_slice %add3A {offsets = [0, 0], sizes = [10000, 32], strides = [1, 1]} : vector<10240x32xf32> to vector<10000x32xf32>
    %get3A_9 = arith.constant 0 : index
    %get3A_10 = arith.constant 0 : index
    %get3A_11 = vector.load %arg1[%get3A_9, %get3A_10] : memref<10000x32xf32, #tpu.memory_space<vmem>>, vector<10000x32xf32>
    %slice3A_12 = vector.extract_strided_slice %slice3A {offsets = [0, 0], sizes = [10000, 16], strides = [1, 1]} : vector<10000x32xf32> to vector<10000x16xf32>
    %slice3A_13 = vector.extract_strided_slice %get3A_11 {offsets = [0, 0], sizes = [10000, 16], strides = [1, 1]} : vector<10000x32xf32> to vector<10000x16xf32>
    %add3A_14 = arith.addf %slice3A_12, %slice3A_13 : vector<10000x16xf32>
    %get3A_15 = arith.constant 0 : index
    %get3A_16 = arith.constant 0 : index
    %get3A_17 = vector.load %arg2[%get3A_15, %get3A_16] : memref<1x16xf32, #tpu.memory_space<vmem>>, vector<1x16xf32>
    %add3A_18 = vector.broadcast %get3A_17 : vector<1x16xf32> to vector<10000x16xf32>
    %add3A_19 = arith.addf %add3A_14, %add3A_18 : vector<10000x16xf32>
    %gt3A = arith.constant 0.000000e+00 : f32
    %gt3A_20 = vector.broadcast %gt3A : f32 to vector<10000x16xf32>
    %gt3A_21 = arith.cmpf ogt, %add3A_19, %gt3A_20 : vector<10000x16xf32>
    %min3A = arith.constant 0.000000e+00 : f32
    %min3A_22 = vector.broadcast %min3A : f32 to vector<10000x16xf32>
    %min3A_23 = arith.minimumf %add3A_19, %min3A_22 : vector<10000x16xf32>
    %exp3A = math.exp %min3A_23 : vector<10000x16xf32>
    %sub3A = arith.constant 1.000000e+00 : f32
    %sub3A_24 = vector.broadcast %sub3A : f32 to vector<10000x16xf32>
    %sub3A_25 = arith.subf %exp3A, %sub3A_24 : vector<10000x16xf32>
    %select_n3A = arith.select %gt3A_21, %add3A_19, %sub3A_25 : vector<10000x16xi1>, vector<10000x16xf32>
    %slice3A_26 = vector.extract_strided_slice %slice3A {offsets = [0, 16], sizes = [10000, 16], strides = [1, 1]} : vector<10000x32xf32> to vector<10000x16xf32>
    %slice3A_27 = vector.extract_strided_slice %get3A_11 {offsets = [0, 16], sizes = [10000, 16], strides = [1, 1]} : vector<10000x32xf32> to vector<10000x16xf32>
    %add3A_28 = arith.addf %slice3A_26, %slice3A_27 : vector<10000x16xf32>
    %get3A_29 = arith.constant 0 : index
    %get3A_30 = arith.constant 0 : index
    %get3A_31 = vector.load %arg3[%get3A_29, %get3A_30] : memref<1x16xf32, #tpu.memory_space<vmem>>, vector<1x16xf32>
    %add3A_32 = vector.broadcast %get3A_31 : vector<1x16xf32> to vector<10000x16xf32>
    %add3A_33 = arith.addf %add3A_28, %add3A_32 : vector<10000x16xf32>
    %gt3A_34 = arith.constant 0.000000e+00 : f32
    %gt3A_35 = vector.broadcast %gt3A_34 : f32 to vector<10000x16xf32>
    %gt3A_36 = arith.cmpf ogt, %add3A_33, %gt3A_35 : vector<10000x16xf32>
    %min3A_37 = arith.constant 0.000000e+00 : f32
    %min3A_38 = vector.broadcast %min3A_37 : f32 to vector<10000x16xf32>
    %min3A_39 = arith.minimumf %add3A_33, %min3A_38 : vector<10000x16xf32>
    %exp3A_40 = math.exp %min3A_39 : vector<10000x16xf32>
    %sub3A_41 = arith.constant 1.000000e+00 : f32
    %sub3A_42 = vector.broadcast %sub3A_41 : f32 to vector<10000x16xf32>
    %sub3A_43 = arith.subf %exp3A_40, %sub3A_42 : vector<10000x16xf32>
    %select_n3A_44 = arith.select %gt3A_36, %add3A_33, %sub3A_43 : vector<10000x16xi1>, vector<10000x16xf32>
    %add3A_45 = arith.addf %select_n3A, %select_n3A_44 : vector<10000x16xf32>
    %mul3A = arith.constant 5.000000e-01 : f32
    %mul3A_46 = vector.broadcast %mul3A : f32 to vector<10000x16xf32>
    %mul3A_47 = arith.mulf %mul3A_46, %add3A_45 : vector<10000x16xf32>
    %gt3A_48 = arith.constant 0.000000e+00 : f32
    %gt3A_49 = vector.broadcast %gt3A_48 : f32 to vector<10000x16xf32>
    %gt3A_50 = arith.cmpf ogt, %mul3A_47, %gt3A_49 : vector<10000x16xf32>
    %min3A_51 = arith.constant 0.000000e+00 : f32
    %min3A_52 = vector.broadcast %min3A_51 : f32 to vector<10000x16xf32>
    %min3A_53 = arith.minimumf %mul3A_47, %min3A_52 : vector<10000x16xf32>
    %exp3A_54 = math.exp %min3A_53 : vector<10000x16xf32>
    %sub3A_55 = arith.constant 1.000000e+00 : f32
    %sub3A_56 = vector.broadcast %sub3A_55 : f32 to vector<10000x16xf32>
    %sub3A_57 = arith.subf %exp3A_54, %sub3A_56 : vector<10000x16xf32>
    %select_n3A_58 = arith.select %gt3A_50, %mul3A_47, %sub3A_57 : vector<10000x16xi1>, vector<10000x16xf32>
    %swap3A = arith.constant 0 : index
    %swap3A_59 = arith.constant 0 : index
    %swap3A_60 = vector.load %arg4[%swap3A, %swap3A_59] : memref<10000x16xf32, #tpu.memory_space<vmem>>, vector<10000x16xf32>
    tpu.vector_store %arg4[%swap3A, %swap3A_59], %select_n3A_58 {strides = array<i32>} : memref<10000x16xf32, #tpu.memory_space<vmem>>, vector<10000x16xf32>,
    return
  }
}

module attributes {stable_mosaic.version = 14 : i64} {
  func.func @_tc3_body(%arg0: memref<2x10240x16xf32, #tpu.memory_space<vmem>>, %arg1: memref<10000x16xf32, #tpu.memory_space<vmem>>, %arg2: memref<16x7xf32, #tpu.memory_space<vmem>>, %arg3: memref<16x7xf32, #tpu.memory_space<vmem>>, %arg4: memref<1x7xf32, #tpu.memory_space<vmem>>, %arg5: memref<10000x7xf32, #tpu.memory_space<vmem>>) attributes {dimension_semantics = [], scalar_prefetch = 0 : i64, scratch_operands = 0 : i64, tpu.core_type = #tpu.core_type<tc>} {
    %get3A = arith.constant 0 : index
    %get3A_0 = arith.constant 0 : index
    %get3A_1 = arith.constant 0 : index
    %get3A_2 = vector.load %arg0[%get3A, %get3A_0, %get3A_1] : memref<2x10240x16xf32, #tpu.memory_space<vmem>>, vector<1x10240x16xf32>
    %get3A_3 = vector.shape_cast %get3A_2 : vector<1x10240x16xf32> to vector<10240x16xf32>
    %get3A_4 = arith.constant 1 : index
    %get3A_5 = arith.constant 0 : index
    %get3A_6 = arith.constant 0 : index
    %get3A_7 = vector.load %arg0[%get3A_4, %get3A_5, %get3A_6] : memref<2x10240x16xf32, #tpu.memory_space<vmem>>, vector<1x10240x16xf32>
    %get3A_8 = vector.shape_cast %get3A_7 : vector<1x10240x16xf32> to vector<10240x16xf32>
    %add3A = arith.addf %get3A_3, %get3A_8 : vector<10240x16xf32>
    %slice3A = vector.extract_strided_slice %add3A {offsets = [0, 0], sizes = [10000, 16], strides = [1, 1]} : vector<10240x16xf32> to vector<10000x16xf32>
    %get3A_9 = arith.constant 0 : index
    %get3A_10 = arith.constant 0 : index
    %get3A_11 = vector.load %arg1[%get3A_9, %get3A_10] : memref<10000x16xf32, #tpu.memory_space<vmem>>, vector<10000x16xf32>
    %get3A_12 = arith.constant 0 : index
    %get3A_13 = arith.constant 0 : index
    %get3A_14 = vector.load %arg2[%get3A_12, %get3A_13] : memref<16x7xf32, #tpu.memory_space<vmem>>, vector<16x7xf32>
    %dot_general3A = arith.constant dense<0.000000e+00> : vector<10000x7xf32>
    %dot_general3A_15 = tpu.matmul %slice3A, %get3A_14, %dot_general3A {dimension_numbers = #tpu.dot_dimension_numbers<[1], [0], [0], [1], [0, 0, 1, 1], [], []>, transpose_lhs_hint = false} : vector<10000x16xf32>, vector<16x7xf32>, vector<10000x7xf32> -> vector<10000x7xf32>
    %get3A_16 = arith.constant 0 : index
    %get3A_17 = arith.constant 0 : index
    %get3A_18 = vector.load %arg3[%get3A_16, %get3A_17] : memref<16x7xf32, #tpu.memory_space<vmem>>, vector<16x7xf32>
    %dot_general3A_19 = arith.constant dense<0.000000e+00> : vector<10000x7xf32>
    %dot_general3A_20 = tpu.matmul %get3A_11, %get3A_18, %dot_general3A_19 {dimension_numbers = #tpu.dot_dimension_numbers<[1], [0], [0], [1], [0, 0, 1, 1], [], []>, transpose_lhs_hint = false} : vector<10000x16xf32>, vector<16x7xf32>, vector<10000x7xf32> -> vector<10000x7xf32>
    %add3A_21 = arith.addf %dot_general3A_15, %dot_general3A_20 : vector<10000x7xf32>
    %get3A_22 = arith.constant 0 : index
    %get3A_23 = arith.constant 0 : index
    %get3A_24 = vector.load %arg4[%get3A_22, %get3A_23] : memref<1x7xf32, #tpu.memory_space<vmem>>, vector<1x7xf32>
    %add3A_25 = vector.broadcast %get3A_24 : vector<1x7xf32> to vector<10000x7xf32>
    %add3A_26 = arith.addf %add3A_21, %add3A_25 : vector<10000x7xf32>
    %reduce_max3A = arith.constant dense<0xFF800000> : vector<10000xf32>
    %reduce_max3A_27 = vector.multi_reduction <maximumf>, %add3A_26, %reduce_max3A [1] : vector<10000x7xf32> to vector<10000xf32>
    %broadcast_in_dim3A = vector.shape_cast %reduce_max3A_27 : vector<10000xf32> to vector<10000x1xf32>
    %sub3A = vector.broadcast %broadcast_in_dim3A : vector<10000x1xf32> to vector<10000x7xf32>
    %sub3A_28 = arith.subf %add3A_26, %sub3A : vector<10000x7xf32>
    %exp3A = math.exp %sub3A_28 : vector<10000x7xf32>
    %reduce_sum3A = arith.constant dense<0.000000e+00> : vector<10000xf32>
    %reduce_sum3A_29 = vector.multi_reduction <add>, %exp3A, %reduce_sum3A [1] : vector<10000x7xf32> to vector<10000xf32>
    %broadcast_in_dim3A_30 = vector.shape_cast %reduce_sum3A_29 : vector<10000xf32> to vector<10000x1xf32>
    %div3A = vector.broadcast %broadcast_in_dim3A_30 : vector<10000x1xf32> to vector<10000x7xf32>
    %div3A_31 = arith.divf %exp3A, %div3A : vector<10000x7xf32>
    %swap3A = arith.constant 0 : index
    %swap3A_32 = arith.constant 0 : index
    %swap3A_33 = vector.load %arg5[%swap3A, %swap3A_32] : memref<10000x7xf32, #tpu.memory_space<vmem>>, vector<10000x7xf32>
    tpu.vector_store %arg5[%swap3A, %swap3A_32], %div3A_31 {strides = array<i32>} : memref<10000x7xf32, #tpu.memory_space<vmem>>, vector<10000x7xf32>,
    return
  }
}

</mosaic_0001>

<sc_bundles>
// kernel: kernel.10.cloned.1.call-start
scs
__scs_entry_jumppad:
0x0: {  	(pc) =	sbr.rel $0x88, $3  }
0x1: {  	(tag) =	ssettag $0x0;
	lr =	simm.s32 $0x1  }
0x2: {  	[smem:$0x3F96] =	sst lr;
	_ =	strace $0xD0000000  }
0x3: {  	_ = 	snop  }
0x4: {  	_ = 	snop  }
0x5: {  	_ = 	snop  }
0x6: {  	_ = 	snop  }
0x7: {  	_ = 	snop  }
__scs_overlays_trampoline_lowered:
0x8: {  	[smem:$0x3FA5] =	sst s0  }
0x9: {  	[smem:$0x3FA6] =	sst s1  }
0xa: {  	[smem:$0x3FA7] =	sst s2  }
0xb: {  	[smem:$0x3FA8] =	sst s3  }
0xc: {  	[smem:$0x3FA9] =	sst s4  }
0xd: {  	[smem:$0x3FAA] =	sst s5  }
0xe: {  	[smem:$0x3FAB] =	sst s6  }
0xf: {  	[smem:$0x3FAC] =	sst s7  }
0x10: {  	[smem:$0x3FAD] =	sst s8  }
0x11: {  	[smem:$0x3FAE] =	sst s9;
	s0 =	simm.s32 @!p0 $0x0  }
0x12: {  	s1 =	sld [smem:$0x3F94];
	s0 =	simm.s32 @p0 $0x1  }
0x13: {  	[smem:$0x3FAF] =	sst s0;
	s0 =	simm.s32 @!p1 $0x0  }
0x14: {  	s2 =	sld [smem:$0x3F93];
	s0 =	simm.s32 @p1 $0x1  }
0x15: {  	[smem:$0x3FB0] =	sst s0;
	s0 =	simm.s32 @!p2 $0x0  }
0x16: {  	s3 =	sld [smem:$0x3FDB];
	s0 =	simm.s32 @p2 $0x1  }
0x17: {  	s4 =	simm.s32 $0x1BF5;
	[smem:$0x3FB2] =	sst s0  }
0x18: {  	s0 =	sld [smem:$0x3F95];
	_ =	swait.ge [sflag:s4], $0x0  }
0x19: {  	s7 =	sld [smem:$0x3F96]  }
0x1a: {  	s8 =	sadd.s32 $0xFFFFE003, lr  }
0x1b: {  	s9 =	sadd.s32 $0xFFFFFEF7, lr;
	s5 =	simm.s32 $0xFFFFFFFF;
	p2 =	slt.u32 s8, $0xFFFFF086  }
0x1c: {  	p1 =	slt.u32 s9, $0xF7A;
	s5 =	simm.s32 @!p2 $0x0  }
0x1d: {  	s5 =	simm.s32 @p1 $0x1;
	p0 =	seq.s32 s7, s2  }
0x1e: {  	s7 =	smul.u32 @!p0 $0xF7A, s2;
	p2 =	seq.s32 @!p0 s5, $0x0  }
0x1f: {  	s9 =	smul.u32 $0xF7A, s1;
	s8 =	simm.s32 @!p0 $0x1BF5;
	p2 =	por !p2, p0  }
0x20: {  	[sflag:s8] =	ssyncset.s32 @!p0 $0xFFFFF086;
	s6 =	sadd.s32 @!p0 s3, s7;
	s7 =	simm.s32 @!p0 $0x108  }
0x21: {  	s3 =	sadd.s32 s3, s9;
	s6 =	sadd.s32 @!p0 $0x88, s6;
	s7 =	simm.s32 @p2 $0x1082  }
0x22: {  	[simem:s7], [sflag:s8] =	dma.local @!p0 [hbm:s6], $0xF7A  }
0x23: {  	s9 =	sor.u32 $0xD0000000, s2;
	s6 =	simm.s32 $0x108;
	_ =	swait.ge @!p0 [sflag:s8], $0x0  }
0x24: {  	s3 =	sadd.s32 $0x88, s3;
	s6 =	simm.s32 @!p1 $0x1082;
	[sflag:s4] =	ssyncset.s32 $0xFFFFF086  }
0x25: {  	[simem:s6], [sflag:s4] =	dma.local [hbm:s3], $0xF7A  }
0x26: {  	[smem:$0x3F96] =	sst s1;
	(tag) =	ssettag s2;
	_ =	strace s9  }
0x27: {  	s1 =	sld [smem:$0x3FA6]  }
0x28: {  	s2 =	sld [smem:$0x3FA7]  }
0x29: {  	s4 =	sld [smem:$0x3FA9]  }
0x2a: {  	p0 =	seq.s32 s5, $0x0;
	s5 =	sld [smem:$0x3FAA]  }
0x2b: {  	s6 =	sld [smem:$0x3FAB]  }
0x2c: {  	s7 =	sld [smem:$0x3FAC]  }
0x2d: {  	s3 =	simm.s32 $0x108;
	s8 =	sld [smem:$0x3FAD]  }
0x2e: {  	s3 =	simm.s32 @!p0 $0x1082;
	s9 =	sld [smem:$0x3FAE]  }
0x2f: {  	lr =	sadd.s32 s0, s3;
	s0 =	sld [smem:$0x3FA5]  }
0x30: {  	s3 =	sld [smem:$0x3FA8]  }
0x31: {  	[smem:$0x3FB1] =	sst s10  }
0x32: {  	s10 =	sld [smem:$0x3FAF];
	_ =	sdelay $0x3  }
0x33: {  	p0 =	seq.s32 s10, $0x1;
	s10 =	sld [smem:$0x3FB1];
	_ =	sdelay $0x3  }
0x34: {  	[smem:$0x3FB1] =	sst s10  }
0x35: {  	s10 =	sld [smem:$0x3FB0];
	_ =	sdelay $0x3  }
0x36: {  	p1 =	seq.s32 s10, $0x1;
	s10 =	sld [smem:$0x3FB1];
	_ =	sdelay $0x3  }
0x37: {  	[smem:$0x3FB1] =	sst s10  }
0x38: {  	s10 =	sld [smem:$0x3FB2]  }
0x39: {  	_ = 	snop;
	(pc) =	sbr.ind lr, $3  }
0x3a: {  	_ = 	snop  }
0x3b: {  	_ = 	snop  }
0x3c: {  	p2 =	seq.s32 s10, $0x1;
	s10 =	sld [smem:$0x3FB1]  }
0x3d: {  	_ =	shalt  }
0x3e: {  	_ =	shalt  }
0x3f: {  	_ =	shalt  }
0x40: {  	_ =	shalt  }
0x41: {  	_ =	shalt  }
0x42: {  	_ =	shalt  }
0x43: {  	_ =	shalt  }
0x44: {  	_ =	shalt  }
0x45: {  	_ =	shalt  }
0x46: {  	_ =	shalt  }
0x47: {  	_ =	shalt  }
0x48: {  	_ =	shalt  }
0x49: {  	_ =	shalt  }
0x4a: {  	_ =	shalt  }
0x4b: {  	_ =	shalt  }
0x4c: {  	_ =	shalt  }
0x4d: {  	_ =	shalt  }
0x4e: {  	_ =	shalt  }
0x4f: {  	_ =	shalt  }
0x50: {  	_ =	shalt  }
0x51: {  	_ =	shalt  }
0x52: {  	_ =	shalt  }
0x53: {  	_ =	shalt  }
0x54: {  	_ =	shalt  }
0x55: {  	_ =	shalt  }
0x56: {  	_ =	shalt  }
0x57: {  	_ =	shalt  }
0x58: {  	_ =	shalt  }
0x59: {  	_ =	shalt  }
0x5a: {  	_ =	shalt  }
0x5b: {  	_ =	shalt  }
0x5c: {  	_ =	shalt  }
0x5d: {  	_ =	shalt  }
0x5e: {  	_ =	shalt  }
0x5f: {  	_ =	shalt  }
0x60: {  	_ =	shalt  }
0x61: {  	_ =	shalt  }
0x62: {  	_ =	shalt  }
0x63: {  	_ =	shalt  }
0x64: {  	_ =	shalt  }
0x65: {  	_ =	shalt  }
0x66: {  	_ =	shalt  }
0x67: {  	_ =	shalt  }
0x68: {  	_ =	shalt  }
0x69: {  	_ =	shalt  }
0x6a: {  	_ =	shalt  }
0x6b: {  	_ =	shalt  }
0x6c: {  	_ =	shalt  }
0x6d: {  	_ =	shalt  }
0x6e: {  	_ =	shalt  }
0x6f: {  	_ =	shalt  }
0x70: {  	_ =	shalt  }
0x71: {  	_ =	shalt  }
0x72: {  	_ =	shalt  }
0x73: {  	_ =	shalt  }
0x74: {  	_ =	shalt  }
0x75: {  	_ =	shalt  }
0x76: {  	_ =	shalt  }
0x77: {  	_ =	shalt  }
0x78: {  	_ =	shalt  }
0x79: {  	_ =	shalt  }
0x7a: {  	_ =	shalt  }
0x7b: {  	_ =	shalt  }
0x7c: {  	_ =	shalt  }
0x7d: {  	_ =	shalt  }
0x7e: {  	_ =	shalt  }
0x7f: {  	_ =	shalt  }
0x80: {  	_ =	shalt  }
0x81: {  	_ =	shalt  }
0x82: {  	_ =	shalt  }
0x83: {  	_ =	shalt  }
0x84: {  	_ =	shalt  }
0x85: {  	_ =	shalt  }
0x86: {  	_ =	shalt  }
0x87: {  	_ =	shalt  }
.Lfunc_end0:
.L_simem_size_0:
called_computation.1_lowered:
.L_overlay_start_0:
0x88: {  	s2 =	sld [smem:$0x3FD9]  }
0x89: {  	s3 =	sld [smem:$0x3FFE];
	_ =	sdelay $0x1  }
0x8a: {  	s1 =	srdreg.scid  }
0x8b: {  	s0 =	sand.u32 $0x1, s1  }
0x8c: {  	s16 =	sshll.u32 s0, $0xA;
	s2 =	sadd.s32 s3, s2  }
0x8d: {  	s2 =	sadd.s32 s2, s16  }
0x8e: {  	[smem:$0x3FBD] =	sst s2  }
0x8f: {  	_ = 	snop  }
0x90: {  	(tm) =	ssettm $0x1  }
0x91: {  	s17 =	sld [smem:$0x3FFB];
	_ =	sdelay $0x3  }
0x92: {  	_ =	strace s17  }
0x93: {  	s2 =	sld [smem:$0x3FFC];
	_ =	sdelay $0x3  }
0x94: {  	_ =	strace s2  }
0x95: {  	s2 =	sld [smem:$0x3FFD];
	_ =	sdelay $0x3  }
0x96: {  	_ =	strace s2  }
0x97: {  	_ =	strace $0x8FFFFFFF  }
0x98: {  	s18 =	sld [smem:$0x3FDB];
	_ =	sdelay $0x1  }
0x99: {  	s19 =	simm.s32 $_scs_section_size  }
0x9a: {  	s4 =	simm.s32 $_size__tile_overlayer_lowered;
	s5 =	simm.s32 $_tile_overlayer_lowered  }
0x9b: {  	s22 =	simm.s32 $0x1BFF;
	s21 =	sshll.u32 s5, $0x1;
	s2 =	sadd.s32 s19, s18  }
0x9c: {  	s6 =	simm.s32 $0x0;
	s20 =	sshll.u32 s4, $0x1;
	s4 =	sadd.s32 s21, s2  }
0x9d: {  	[timem:s6], [sflag:s22] =	dma.local [hbm:s4], s20  }
0x9e: {  	_ =	swait.ge [sflag:s22], s20  }
0x9f: {  	s3 =	ssub.s32 $0x0, s20;
	[sflag:s22] =	ssyncset.done $0x0  }
0xa0: {  	[sflag:s22] =	ssyncadd.s32 s3;
	_ =	sdelay $0x1  }
0xa1: {  	s23 =	simm.s32 $0x1B8B  }
0xa2: {  	_ =	swait.ge [sflag:s23], $0x1  }
0xa3: {  	[sflag:s23] =	ssyncset.done $0x0  }
0xa4: {  	s25 =	simm.s32 $0x1B8E;
	s24 =	sld [smem:$0x3FFE];
	[sflag:s23] =	ssyncadd.s32 $0xFFFFFFFF  }
0xa5: {  	s26 =	simm.s32 $execute0_lowered;
	[smem:$0x3FD2] =	sst s25  }
0xa6: {  	s4 =	sshll.u32 s26, $0x1;
	_ =	strace $0x80000049;
	[dreg:$0x1] =	wrdreg $0xFFFFFFFF  }
0xa7: {  	s28 =	simm.s32 $_size_execute0_lowered;
	s2 =	sadd.s32 s2, s4;
	[dreg:$0x0] =	wrdreg $0x0  }
0xa8: {  	s4 =	sshll.u32 s28, $0x1;
	[dreg:$0x2] =	wrdreg s2  }
0xa9: {  	[dreg:$0x3] =	wrdreg s4  }
0xaa: {  	[dreg:$0x4] =	wrdreg $0xC0  }
0xab: {  	_ =	task [dreg:s6], $0x5FFFF  }
0xac: {  	[dreg:$0x1] =	wrdreg $0xFFFFFFFF  }
0xad: {  	[dreg:$0x0] =	wrdreg $0x60  }
0xae: {  	[dreg:$0x2] =	wrdreg s24  }
0xaf: {  	[dreg:$0x3] =	wrdreg $0x57000  }
0xb0: {  	[dreg:$0x4] =	wrdreg $0x9  }
0xb1: {  	_ =	task.clear_ibuf [dreg:s6], $0x5FFFF;
	_ =	strace $0x90000049  }
0xb2: {  	s29 =	simm.s32 $0x9;
	_ =	strace $0x8000004B  }
0xb3: {  	_ =	swait.ge [sflag:s29], $0x1  }
0xb4: {  	[sflag:s29] =	ssyncadd.s32 $0xFFFFFFFF  }
0xb5: {  	_ =	strace $0x9000004B  }
0xb6: {  	_ =	sfence  }
0xb7: {  	s30 =	sld [smem:$0x0];
	_ =	sdelay $0x2  }
0xb8: {  	s31 =	sshll.u32 s1, $0xD;
	s1 =	sshrl.u32 s1, $0x2  }
0xb9: {  	s3 =	sand.u32 $0x4000, s31;
	s1 =	sadd.s32 s1, s30  }
0xba: {  	s0 =	sor.u32 s3, s0;
	s1 =	sshll.u32 s1, $0x11  }
0xbb: {  	s0 =	sor.u32 s1, s0  }
0xbc: {  	s0 =	sadd.s32 $0x8F2B, s0  }
0xbd: {  	[sflag:s0] =	ssyncadd.remote.s32 $0x1  }
0xbe: {  	_ =	sfence.sel $0xFFFF  }
0xbf: {  	[dreg:$0x0] =	wrdreg $0xFFFFFFFF;
	(pc) =	sbr.abs _section_cstart, $3  }
0xc0: {  	[dreg:$0x1] =	wrdreg $0xFFFFFFFF  }
0xc1: {  	_ =	task.clear_ibuf [dreg:s6], $0x2FFFF;
	_ =	strace $0x9FFFFFFF  }
0xc2: {  	(tm) =	ssettm $0x7FFFFFFF  }
0xc3: {  	_ =	shalt  }
tec
execute0_lowered:
.L_overlay_start_1:
0x0: {  	(tag) =	ssettag $0x1  }
0x1: {  	s1 =	srdreg.scid  }
0x2: {  	s0 =	stileid.u32;
	s6 =	rddreg [dreg:$0x0]  }
0x3: {  	s2 =	rddreg [dreg:$0x1];
	s3 =	simm.s32 $0x0;
	s14 =	simm.s32 $0x80  }
0x4: {  	s15 =	simm.s32 $0x4F00;
	s16 =	simm.s32 $0x1;
	s17 =	simm.s32 $0x0  }
0x5: {  	s5 =	sand.u32 $0x1, s1;
	s28 =	sshll.u32 s0, $0x1;
	s8 =	smul.u32 $0x2800, s0  }
0x6: {  	[smem:$0x7FF] =	sst s3;
	s4 =	sadd.s32 $0x1200, s6;
	s31 =	sshll.u32 s0, $0x6  }
0x7: {  	s1 =	sor.u32 s5, s28;
	s9 =	smul.u32 $0x28000, s5;
	s5 =	ssub.s32 $0x2, s5  }
0x8: {  	s7 =	smul.u32 $0x4F0, s1;
	s1 =	rddreg [dreg:$0x2];
	_ =	strace $0x8000004A  }
0x9: {  	s30 =	sshrl.u32 s8, $0x3;
	s11 =	sshrl.u32 s5, $0x1;
	s13 =	sadd.s32 s8, s2  }
0xa: {  	s29 =	sadd.s32 s8, s9;
	s9 =	sadd.s32 s30, s6;
	s11 =	ssub.s32 s5, s11  }
0xb: {  	s10 =	sadd.s32 s7, s6;
	s7 =	sshrl.u32 s29, $0x3;
	s5 =	sadd.s32 $0x1EC00, s9  }
0xc: {  	s12 =	sadd.s32 s7, s6;
	s6 =	sor.u32 $0x1C02, s31;
	s7 =	sadd.s32 $0x14E00, s10  }
0xd: {  	s8 =	sadd.s32 $0xB000, s10;
	s10 =	smax.u32 s11, $0x1;
	s11 =	sshrl.u32 s13, $0x3  }
0xe: {  	s13 =	simm.s32 $0x2780;
	s9 =	sadd.s32 $0x23C00, s12;
	s12 =	simm.s32 $0x2  }
.LBB2_1:
0xf: {  	[spmem:s11], [sflag:s6] =	dma.local [hbm:s5], $0x500  }
0x10: {  	_ =	swait.ge [sflag:s12], $0x500  }
0x11: {  	[sflag:s12] =	ssyncset.done $0x0  }
0x12: {  	[sflag:s12] =	ssyncadd.s32 $0xFFFFFB00  }
0x13: {  	[tilespmem:s3], [sflag:$0x2] =	stream.linear.gather [hbm4b:s7+s3], $0x2780, $0x38;
	[tilespmem:$0x7F00] =	vst v63  }
0x14: {  	_ =	swait.ge [sflag:s12], $0x2780  }
0x15: {  	[sflag:s12] =	ssyncset.done $0x0  }
0x16: {  	[sflag:s12] =	ssyncadd.s32 $0xFFFFD880  }
0x17: {  	[tilespmem:s13], [sflag:$0x2] =	stream.linear.gather [hbm4b:s8+s3], $0x2780, $0x38;
	[tilespmem:$0x7F00] =	vst v63  }
0x18: {  	_ =	swait.ge [sflag:s12], $0x2780  }
0x19: {  	[sflag:s12] =	ssyncset.done $0x0  }
0x1a: {  	[sflag:s12] =	ssyncadd.s32 $0xFFFFD880  }
0x1b: {  	s18 =	simm.s32 $0x0;
	[bflag:$0x0] =	sbarrier.arrive $0xFFFF  }
0x1c: {  	[tilespmem:s15], [sflag:$0x1] =	stream.indirect.gather [hbm4b:s4+s14], $0x10, s18, s14, $0xb8;
	[tilespmem:$0x7F00] =	vst v63  }
0x1d: {  	_ =	swait.ge [sflag:s16], $0x800  }
0x1e: {  	[sflag:s16] =	ssyncset.done $0x0  }
0x1f: {  	s31 =	simm.s32 $0x2780;
	[sflag:s16] =	ssyncadd.s32 $0xFFFFF800  }
0x20: {  	[spmem:s2] =	stream.indirect.scatter.add.f32 [tilespmem:s15], [sflag:$0x2], $0x10, s31, s14, $0xb8;
	[tilespmem:$0x7F00] =	vst v63  }
0x21: {  	_ =	swait.ge [sflag:s12], $0x800  }
0x22: {  	s19 =	simm.s32 $0x400;
	s18 =	simm.s32 $0x200;
	[sflag:s12] =	ssyncset.done $0x0  }
.LBB2_2:
0x23: {  	s20 =	sshra.s32 s18, $0x2  }
0x24: {  	[sflag:s12] =	ssyncadd.s32 $0xFFFFF800;
	s18 =	smov.u32 s19;
	s21 =	sadd.s32 $0x200, s19  }
0x25: {  	[tilespmem:s15], [sflag:$0x1] =	stream.indirect.gather [hbm4b:s4+s14], $0x10, s20, s14, $0xb8;
	[tilespmem:$0x7F00] =	vst v63  }
0x26: {  	p0 =	sne.s32 s19, $0x9C00;
	_ =	swait.ge [sflag:s16], $0x800  }
.Ltmp0:
0x27: {  	[sflag:s16] =	ssyncset.done $0x0;
	(pc) =	sbr.rel @p0 .LBB2_2-.Ltmp0, $4  }
0x28: {  	s19 =	sadd.s32 $0x2780, s20;
	[sflag:s16] =	ssyncadd.s32 $0xFFFFF800  }
0x29: {  	[spmem:s2] =	stream.indirect.scatter.add.f32 [tilespmem:s15], [sflag:$0x2], $0x10, s19, s14, $0xb8;
	[tilespmem:$0x7F00] =	vst v63  }
0x2a: {  	_ =	swait.ge [sflag:s12], $0x800  }
0x2b: {  	s19 =	smov.u32 s21;
	[sflag:s12] =	ssyncset.done $0x0  }
0x2c: {  	s18 =	sshra.s32 s18, $0x2;
	[sflag:s12] =	ssyncadd.s32 $0xFFFFF800  }
0x2d: {  	[tilespmem:s15], [sflag:$0x1] =	stream.indirect.gather [hbm4b:s4+s14], $0x10, s18, s14, $0xb8;
	[tilespmem:$0x7F00] =	vst v63  }
0x2e: {  	_ =	swait.ge [sflag:s16], $0x800  }
0x2f: {  	[sflag:s16] =	ssyncset.done $0x0  }
0x30: {  	s18 =	sadd.s32 $0x2780, s18;
	[sflag:s16] =	ssyncadd.s32 $0xFFFFF800  }
0x31: {  	[spmem:s2] =	stream.indirect.scatter.add.f32 [tilespmem:s15], [sflag:$0x2], $0x10, s18, s14, $0xb8;
	[tilespmem:$0x7F00] =	vst v63  }
0x32: {  	_ =	swait.ge [sflag:s12], $0x800  }
0x33: {  	s17 =	sadd.s32 $0x1, s17;
	[sflag:s12] =	ssyncset.done $0x0  }
0x34: {  	p0 =	sne.s32 s17, s10;
	[sflag:s12] =	ssyncadd.s32 $0xFFFFF800  }
.Ltmp1:
0x35: {  	[bflag:$0x0] =	sbarrier.arrive $0xFFFF;
	(pc) =	sbr.rel @p0 .LBB2_1-.Ltmp1, $4  }
0x36: {  	[hbm:s9], [sflag:s6] =	dma.local [spmem:s11], $0x500  }
0x37: {  	_ =	swait.ge [sflag:s12], $0x500  }
0x38: {  	[sflag:s12] =	ssyncset.done $0x0  }
0x39: {  	[sflag:s12] =	ssyncadd.s32 $0xFFFFFB00  }
0x3a: {  	_ =	sfence.sel $0x180000  }
0x3b: {  	[bflag:$0x0] =	sbarrier.arrive $0xFFFF  }
0x3c: {  	p0 =	sne.s32 s0, $0x0;
	_ =	strace $0x9000004A  }
0x3d: {  	s0 =	sadd.s32 @!p0 $0x100000, s1;
	[bflag:$0x2] =	sbarrier.arrive $0xFFFF  }
0x3e: {  	[sflag:s0] =	ssyncadd.tile.s32 @!p0 $0x1;
	_ =	shalt  }
.Lfunc_end2:
_tile_overlayer_lowered:
.L_overlay_start_2:
0x3f: {  	(tag) =	ssettag $0x2  }
0x40: {  	s0 =	rddreg [dreg:$0x0];
	s2 =	stileid.u32  }
0x41: {  	s1 =	rddreg [dreg:$0x1];
	p0 =	sne.s32 s2, $0x0  }
0x42: {  	s3 =	rddreg [dreg:$0x2];
	[bflag:$0x3] =	sbarrier.arrive $0xFFFF;
	s2 =	simm.s32 @!p0 $0x1C02  }
0x43: {  	[timem:s3], [sflag:s2] =	dma.local @!p0 [hbm:s0], s1  }
0x44: {  	s0 =	simm.s32 @!p0 $0x2  }
0x45: {  	_ =	swait.ge @!p0 [sflag:s0], s1  }
0x46: {  	s1 =	ssub.s32 @!p0 $0x0, s1;
	[sflag:s0] =	ssyncset.done @!p0 $0x0  }
0x47: {  	[sflag:s0] =	ssyncadd.s32 @!p0 s1  }
0x48: {  	[bflag:$0x3] =	sbarrier.arrive $0xFFFF  }
0x49: {  	_ =	shalt  }

// kernel: kernel.7.cloned.1.call-start
scs
__scs_entry_jumppad:
0x0: {  	(pc) =	sbr.rel $0x88, $3  }
0x1: {  	(tag) =	ssettag $0x0;
	lr =	simm.s32 $0x1  }
0x2: {  	[smem:$0x3F96] =	sst lr;
	_ =	strace $0xD0000000  }
0x3: {  	_ = 	snop  }
0x4: {  	_ = 	snop  }
0x5: {  	_ = 	snop  }
0x6: {  	_ = 	snop  }
0x7: {  	_ = 	snop  }
__scs_overlays_trampoline_lowered:
0x8: {  	[smem:$0x3FA5] =	sst s0  }
0x9: {  	[smem:$0x3FA6] =	sst s1  }
0xa: {  	[smem:$0x3FA7] =	sst s2  }
0xb: {  	[smem:$0x3FA8] =	sst s3  }
0xc: {  	[smem:$0x3FA9] =	sst s4  }
0xd: {  	[smem:$0x3FAA] =	sst s5  }
0xe: {  	[smem:$0x3FAB] =	sst s6  }
0xf: {  	[smem:$0x3FAC] =	sst s7  }
0x10: {  	[smem:$0x3FAD] =	sst s8  }
0x11: {  	[smem:$0x3FAE] =	sst s9;
	s0 =	simm.s32 @!p0 $0x0  }
0x12: {  	s1 =	sld [smem:$0x3F94];
	s0 =	simm.s32 @p0 $0x1  }
0x13: {  	[smem:$0x3FAF] =	sst s0;
	s0 =	simm.s32 @!p1 $0x0  }
0x14: {  	s2 =	sld [smem:$0x3F93];
	s0 =	simm.s32 @p1 $0x1  }
0x15: {  	[smem:$0x3FB0] =	sst s0;
	s0 =	simm.s32 @!p2 $0x0  }
0x16: {  	s3 =	sld [smem:$0x3FDB];
	s0 =	simm.s32 @p2 $0x1  }
0x17: {  	s4 =	simm.s32 $0x1BF5;
	[smem:$0x3FB2] =	sst s0  }
0x18: {  	s0 =	sld [smem:$0x3F95];
	_ =	swait.ge [sflag:s4], $0x0  }
0x19: {  	s7 =	sld [smem:$0x3F96]  }
0x1a: {  	s8 =	sadd.s32 $0xFFFFE003, lr  }
0x1b: {  	s9 =	sadd.s32 $0xFFFFFEF7, lr;
	s5 =	simm.s32 $0xFFFFFFFF;
	p2 =	slt.u32 s8, $0xFFFFF086  }
0x1c: {  	p1 =	slt.u32 s9, $0xF7A;
	s5 =	simm.s32 @!p2 $0x0  }
0x1d: {  	s5 =	simm.s32 @p1 $0x1;
	p0 =	seq.s32 s7, s2  }
0x1e: {  	s7 =	smul.u32 @!p0 $0xF7A, s2;
	p2 =	seq.s32 @!p0 s5, $0x0  }
0x1f: {  	s9 =	smul.u32 $0xF7A, s1;
	s8 =	simm.s32 @!p0 $0x1BF5;
	p2 =	por !p2, p0  }
0x20: {  	[sflag:s8] =	ssyncset.s32 @!p0 $0xFFFFF086;
	s6 =	sadd.s32 @!p0 s3, s7;
	s7 =	simm.s32 @!p0 $0x108  }
0x21: {  	s3 =	sadd.s32 s3, s9;
	s6 =	sadd.s32 @!p0 $0x88, s6;
	s7 =	simm.s32 @p2 $0x1082  }
0x22: {  	[simem:s7], [sflag:s8] =	dma.local @!p0 [hbm:s6], $0xF7A  }
0x23: {  	s9 =	sor.u32 $0xD0000000, s2;
	s6 =	simm.s32 $0x108;
	_ =	swait.ge @!p0 [sflag:s8], $0x0  }
0x24: {  	s3 =	sadd.s32 $0x88, s3;
	s6 =	simm.s32 @!p1 $0x1082;
	[sflag:s4] =	ssyncset.s32 $0xFFFFF086  }
0x25: {  	[simem:s6], [sflag:s4] =	dma.local [hbm:s3], $0xF7A  }
0x26: {  	[smem:$0x3F96] =	sst s1;
	(tag) =	ssettag s2;
	_ =	strace s9  }
0x27: {  	s1 =	sld [smem:$0x3FA6]  }
0x28: {  	s2 =	sld [smem:$0x3FA7]  }
0x29: {  	s4 =	sld [smem:$0x3FA9]  }
0x2a: {  	p0 =	seq.s32 s5, $0x0;
	s5 =	sld [smem:$0x3FAA]  }
0x2b: {  	s6 =	sld [smem:$0x3FAB]  }
0x2c: {  	s7 =	sld [smem:$0x3FAC]  }
0x2d: {  	s3 =	simm.s32 $0x108;
	s8 =	sld [smem:$0x3FAD]  }
0x2e: {  	s3 =	simm.s32 @!p0 $0x1082;
	s9 =	sld [smem:$0x3FAE]  }
0x2f: {  	lr =	sadd.s32 s0, s3;
	s0 =	sld [smem:$0x3FA5]  }
0x30: {  	s3 =	sld [smem:$0x3FA8]  }
0x31: {  	[smem:$0x3FB1] =	sst s10  }
0x32: {  	s10 =	sld [smem:$0x3FAF];
	_ =	sdelay $0x3  }
0x33: {  	p0 =	seq.s32 s10, $0x1;
	s10 =	sld [smem:$0x3FB1];
	_ =	sdelay $0x3  }
0x34: {  	[smem:$0x3FB1] =	sst s10  }
0x35: {  	s10 =	sld [smem:$0x3FB0];
	_ =	sdelay $0x3  }
0x36: {  	p1 =	seq.s32 s10, $0x1;
	s10 =	sld [smem:$0x3FB1];
	_ =	sdelay $0x3  }
0x37: {  	[smem:$0x3FB1] =	sst s10  }
0x38: {  	s10 =	sld [smem:$0x3FB2]  }
0x39: {  	_ = 	snop;
	(pc) =	sbr.ind lr, $3  }
0x3a: {  	_ = 	snop  }
0x3b: {  	_ = 	snop  }
0x3c: {  	p2 =	seq.s32 s10, $0x1;
	s10 =	sld [smem:$0x3FB1]  }
0x3d: {  	_ =	shalt  }
0x3e: {  	_ =	shalt  }
0x3f: {  	_ =	shalt  }
0x40: {  	_ =	shalt  }
0x41: {  	_ =	shalt  }
0x42: {  	_ =	shalt  }
0x43: {  	_ =	shalt  }
0x44: {  	_ =	shalt  }
0x45: {  	_ =	shalt  }
0x46: {  	_ =	shalt  }
0x47: {  	_ =	shalt  }
0x48: {  	_ =	shalt  }
0x49: {  	_ =	shalt  }
0x4a: {  	_ =	shalt  }
0x4b: {  	_ =	shalt  }
0x4c: {  	_ =	shalt  }
0x4d: {  	_ =	shalt  }
0x4e: {  	_ =	shalt  }
0x4f: {  	_ =	shalt  }
0x50: {  	_ =	shalt  }
0x51: {  	_ =	shalt  }
0x52: {  	_ =	shalt  }
0x53: {  	_ =	shalt  }
0x54: {  	_ =	shalt  }
0x55: {  	_ =	shalt  }
0x56: {  	_ =	shalt  }
0x57: {  	_ =	shalt  }
0x58: {  	_ =	shalt  }
0x59: {  	_ =	shalt  }
0x5a: {  	_ =	shalt  }
0x5b: {  	_ =	shalt  }
0x5c: {  	_ =	shalt  }
0x5d: {  	_ =	shalt  }
0x5e: {  	_ =	shalt  }
0x5f: {  	_ =	shalt  }
0x60: {  	_ =	shalt  }
0x61: {  	_ =	shalt  }
0x62: {  	_ =	shalt  }
0x63: {  	_ =	shalt  }
0x64: {  	_ =	shalt  }
0x65: {  	_ =	shalt  }
0x66: {  	_ =	shalt  }
0x67: {  	_ =	shalt  }
0x68: {  	_ =	shalt  }
0x69: {  	_ =	shalt  }
0x6a: {  	_ =	shalt  }
0x6b: {  	_ =	shalt  }
0x6c: {  	_ =	shalt  }
0x6d: {  	_ =	shalt  }
0x6e: {  	_ =	shalt  }
0x6f: {  	_ =	shalt  }
0x70: {  	_ =	shalt  }
0x71: {  	_ =	shalt  }
0x72: {  	_ =	shalt  }
0x73: {  	_ =	shalt  }
0x74: {  	_ =	shalt  }
0x75: {  	_ =	shalt  }
0x76: {  	_ =	shalt  }
0x77: {  	_ =	shalt  }
0x78: {  	_ =	shalt  }
0x79: {  	_ =	shalt  }
0x7a: {  	_ =	shalt  }
0x7b: {  	_ =	shalt  }
0x7c: {  	_ =	shalt  }
0x7d: {  	_ =	shalt  }
0x7e: {  	_ =	shalt  }
0x7f: {  	_ =	shalt  }
0x80: {  	_ =	shalt  }
0x81: {  	_ =	shalt  }
0x82: {  	_ =	shalt  }
0x83: {  	_ =	shalt  }
0x84: {  	_ =	shalt  }
0x85: {  	_ =	shalt  }
0x86: {  	_ =	shalt  }
0x87: {  	_ =	shalt  }
.Lfunc_end0:
.L_simem_size_0:
called_computation_lowered:
.L_overlay_start_0:
0x88: {  	s2 =	sld [smem:$0x3FD9]  }
0x89: {  	s3 =	sld [smem:$0x3FFE];
	_ =	sdelay $0x1  }
0x8a: {  	s1 =	srdreg.scid  }
0x8b: {  	s0 =	sand.u32 $0x1, s1  }
0x8c: {  	s16 =	sshll.u32 s0, $0xA;
	s2 =	sadd.s32 s3, s2  }
0x8d: {  	s2 =	sadd.s32 s2, s16  }
0x8e: {  	[smem:$0x3FBD] =	sst s2  }
0x8f: {  	_ = 	snop  }
0x90: {  	(tm) =	ssettm $0x1  }
0x91: {  	s17 =	sld [smem:$0x3FFB];
	_ =	sdelay $0x3  }
0x92: {  	_ =	strace s17  }
0x93: {  	s2 =	sld [smem:$0x3FFC];
	_ =	sdelay $0x3  }
0x94: {  	_ =	strace s2  }
0x95: {  	s2 =	sld [smem:$0x3FFD];
	_ =	sdelay $0x3  }
0x96: {  	_ =	strace s2  }
0x97: {  	_ =	strace $0x8FFFFFFF  }
0x98: {  	s18 =	sld [smem:$0x3FDB];
	_ =	sdelay $0x1  }
0x99: {  	s19 =	simm.s32 $_scs_section_size  }
0x9a: {  	s4 =	simm.s32 $_size__tile_overlayer_lowered;
	s5 =	simm.s32 $_tile_overlayer_lowered  }
0x9b: {  	s22 =	simm.s32 $0x1BFF;
	s21 =	sshll.u32 s5, $0x1;
	s2 =	sadd.s32 s19, s18  }
0x9c: {  	s6 =	simm.s32 $0x0;
	s20 =	sshll.u32 s4, $0x1;
	s4 =	sadd.s32 s21, s2  }
0x9d: {  	[timem:s6], [sflag:s22] =	dma.local [hbm:s4], s20  }
0x9e: {  	_ =	swait.ge [sflag:s22], s20  }
0x9f: {  	s3 =	ssub.s32 $0x0, s20;
	[sflag:s22] =	ssyncset.done $0x0  }
0xa0: {  	[sflag:s22] =	ssyncadd.s32 s3;
	_ =	sdelay $0x1  }
0xa1: {  	s23 =	simm.s32 $0x1B8B  }
0xa2: {  	_ =	swait.ge [sflag:s23], $0x1  }
0xa3: {  	[sflag:s23] =	ssyncset.done $0x0  }
0xa4: {  	s25 =	simm.s32 $0x1B8E;
	s24 =	sld [smem:$0x3FFE];
	[sflag:s23] =	ssyncadd.s32 $0xFFFFFFFF  }
0xa5: {  	s26 =	simm.s32 $execute0_lowered;
	[smem:$0x3FD2] =	sst s25  }
0xa6: {  	s4 =	sshll.u32 s26, $0x1;
	_ =	strace $0x80000046;
	[dreg:$0x1] =	wrdreg $0xFFFFFFFF  }
0xa7: {  	s28 =	simm.s32 $_size_execute0_lowered;
	s2 =	sadd.s32 s2, s4;
	[dreg:$0x0] =	wrdreg $0x0  }
0xa8: {  	s4 =	sshll.u32 s28, $0x1;
	[dreg:$0x2] =	wrdreg s2  }
0xa9: {  	[dreg:$0x3] =	wrdreg s4  }
0xaa: {  	[dreg:$0x4] =	wrdreg $0xC0  }
0xab: {  	_ =	task [dreg:s6], $0x5FFFF  }
0xac: {  	[dreg:$0x1] =	wrdreg $0xFFFFFFFF  }
0xad: {  	[dreg:$0x0] =	wrdreg $0x60  }
0xae: {  	[dreg:$0x2] =	wrdreg s24  }
0xaf: {  	[dreg:$0x3] =	wrdreg $0x5F000  }
0xb0: {  	[dreg:$0x4] =	wrdreg $0x9  }
0xb1: {  	_ =	task.clear_ibuf [dreg:s6], $0x5FFFF;
	_ =	strace $0x90000046  }
0xb2: {  	s29 =	simm.s32 $0x9;
	_ =	strace $0x80000048  }
0xb3: {  	_ =	swait.ge [sflag:s29], $0x1  }
0xb4: {  	[sflag:s29] =	ssyncadd.s32 $0xFFFFFFFF  }
0xb5: {  	_ =	strace $0x90000048  }
0xb6: {  	_ =	sfence  }
0xb7: {  	s30 =	sld [smem:$0x0];
	_ =	sdelay $0x2  }
0xb8: {  	s31 =	sshll.u32 s1, $0xD;
	s1 =	sshrl.u32 s1, $0x2  }
0xb9: {  	s3 =	sand.u32 $0x4000, s31;
	s1 =	sadd.s32 s1, s30  }
0xba: {  	s0 =	sor.u32 s3, s0;
	s1 =	sshll.u32 s1, $0x11  }
0xbb: {  	s0 =	sor.u32 s1, s0  }
0xbc: {  	s0 =	sadd.s32 $0x8F2B, s0  }
0xbd: {  	[sflag:s0] =	ssyncadd.remote.s32 $0x1  }
0xbe: {  	_ =	sfence.sel $0xFFFF  }
0xbf: {  	[dreg:$0x0] =	wrdreg $0xFFFFFFFF;
	(pc) =	sbr.abs _section_cstart, $3  }
0xc0: {  	[dreg:$0x1] =	wrdreg $0xFFFFFFFF  }
0xc1: {  	_ =	task.clear_ibuf [dreg:s6], $0x2FFFF;
	_ =	strace $0x9FFFFFFF  }
0xc2: {  	(tm) =	ssettm $0x7FFFFFFF  }
0xc3: {  	_ =	shalt  }
tec
execute0_lowered:
.L_overlay_start_1:
0x0: {  	(tag) =	ssettag $0x1  }
0x1: {  	s1 =	srdreg.scid  }
0x2: {  	s0 =	stileid.u32;
	s6 =	rddreg [dreg:$0x0]  }
0x3: {  	s2 =	rddreg [dreg:$0x1];
	s3 =	simm.s32 $0x0;
	s14 =	simm.s32 $0x80  }
0x4: {  	s15 =	simm.s32 $0x4F00;
	s16 =	simm.s32 $0x1;
	s17 =	simm.s32 $0x0  }
0x5: {  	s5 =	sand.u32 $0x1, s1;
	s28 =	sshll.u32 s0, $0x1;
	s8 =	smul.u32 $0x5000, s0  }
0x6: {  	[smem:$0x7FF] =	sst s3;
	s4 =	sadd.s32 $0x1200, s6;
	s31 =	sshll.u32 s0, $0x6  }
0x7: {  	s1 =	sor.u32 s5, s28;
	s9 =	smul.u32 $0x50000, s5;
	s5 =	ssub.s32 $0x2, s5  }
0x8: {  	s7 =	smul.u32 $0x4F0, s1;
	s1 =	rddreg [dreg:$0x2];
	_ =	strace $0x80000047  }
0x9: {  	s30 =	sshrl.u32 s8, $0x3;
	s11 =	sshrl.u32 s5, $0x1;
	s13 =	sadd.s32 s8, s2  }
0xa: {  	s29 =	sadd.s32 s8, s9;
	s9 =	sadd.s32 s30, s6;
	s11 =	ssub.s32 s5, s11  }
0xb: {  	s10 =	sadd.s32 s7, s6;
	s7 =	sshrl.u32 s29, $0x3;
	s5 =	sadd.s32 $0x1EC00, s9  }
0xc: {  	s12 =	sadd.s32 s7, s6;
	s6 =	sor.u32 $0x1C02, s31;
	s7 =	sadd.s32 $0x14E00, s10  }
0xd: {  	s8 =	sadd.s32 $0xB000, s10;
	s10 =	smax.u32 s11, $0x1;
	s11 =	sshrl.u32 s13, $0x3  }
0xe: {  	s13 =	simm.s32 $0x2780;
	s9 =	sadd.s32 $0x28C00, s12;
	s12 =	simm.s32 $0x2  }
.LBB2_1:
0xf: {  	[spmem:s11], [sflag:s6] =	dma.local [hbm:s5], $0xA00  }
0x10: {  	_ =	swait.ge [sflag:s12], $0xA00  }
0x11: {  	[sflag:s12] =	ssyncset.done $0x0  }
0x12: {  	[sflag:s12] =	ssyncadd.s32 $0xFFFFF600  }
0x13: {  	[tilespmem:s3], [sflag:$0x2] =	stream.linear.gather [hbm4b:s7+s3], $0x2780, $0x38;
	[tilespmem:$0xAF00] =	vst v63  }
0x14: {  	_ =	swait.ge [sflag:s12], $0x2780  }
0x15: {  	[sflag:s12] =	ssyncset.done $0x0  }
0x16: {  	[sflag:s12] =	ssyncadd.s32 $0xFFFFD880  }
0x17: {  	[tilespmem:s13], [sflag:$0x2] =	stream.linear.gather [hbm4b:s8+s3], $0x2780, $0x38;
	[tilespmem:$0xAF00] =	vst v63  }
0x18: {  	_ =	swait.ge [sflag:s12], $0x2780  }
0x19: {  	[sflag:s12] =	ssyncset.done $0x0  }
0x1a: {  	[sflag:s12] =	ssyncadd.s32 $0xFFFFD880  }
0x1b: {  	s18 =	simm.s32 $0x0;
	[bflag:$0x0] =	sbarrier.arrive $0xFFFF  }
0x1c: {  	[tilespmem:s15], [sflag:$0x1] =	stream.indirect.gather [hbm4b:s4+s14], $0x20, s18, s14, $0xb8;
	[tilespmem:$0xAF00] =	vst v63  }
0x1d: {  	_ =	swait.ge [sflag:s16], $0x1000  }
0x1e: {  	[sflag:s16] =	ssyncset.done $0x0  }
0x1f: {  	s31 =	simm.s32 $0x2780;
	[sflag:s16] =	ssyncadd.s32 $0xFFFFF000  }
0x20: {  	[spmem:s2] =	stream.indirect.scatter.add.f32 [tilespmem:s15], [sflag:$0x2], $0x20, s31, s14, $0xb8;
	[tilespmem:$0xAF00] =	vst v63  }
0x21: {  	_ =	swait.ge [sflag:s12], $0x1000  }
0x22: {  	s19 =	simm.s32 $0x400;
	s18 =	simm.s32 $0x200;
	[sflag:s12] =	ssyncset.done $0x0  }
.LBB2_2:
0x23: {  	s20 =	sshra.s32 s18, $0x2  }
0x24: {  	[sflag:s12] =	ssyncadd.s32 $0xFFFFF000;
	s18 =	smov.u32 s19;
	s21 =	sadd.s32 $0x200, s19  }
0x25: {  	[tilespmem:s15], [sflag:$0x1] =	stream.indirect.gather [hbm4b:s4+s14], $0x20, s20, s14, $0xb8;
	[tilespmem:$0xAF00] =	vst v63  }
0x26: {  	p0 =	sne.s32 s19, $0x9C00;
	_ =	swait.ge [sflag:s16], $0x1000  }
.Ltmp0:
0x27: {  	[sflag:s16] =	ssyncset.done $0x0;
	(pc) =	sbr.rel @p0 .LBB2_2-.Ltmp0, $4  }
0x28: {  	s19 =	sadd.s32 $0x2780, s20;
	[sflag:s16] =	ssyncadd.s32 $0xFFFFF000  }
0x29: {  	[spmem:s2] =	stream.indirect.scatter.add.f32 [tilespmem:s15], [sflag:$0x2], $0x20, s19, s14, $0xb8;
	[tilespmem:$0xAF00] =	vst v63  }
0x2a: {  	_ =	swait.ge [sflag:s12], $0x1000  }
0x2b: {  	s19 =	smov.u32 s21;
	[sflag:s12] =	ssyncset.done $0x0  }
0x2c: {  	s18 =	sshra.s32 s18, $0x2;
	[sflag:s12] =	ssyncadd.s32 $0xFFFFF000  }
0x2d: {  	[tilespmem:s15], [sflag:$0x1] =	stream.indirect.gather [hbm4b:s4+s14], $0x20, s18, s14, $0xb8;
	[tilespmem:$0xAF00] =	vst v63  }
0x2e: {  	_ =	swait.ge [sflag:s16], $0x1000  }
0x2f: {  	[sflag:s16] =	ssyncset.done $0x0  }
0x30: {  	s18 =	sadd.s32 $0x2780, s18;
	[sflag:s16] =	ssyncadd.s32 $0xFFFFF000  }
0x31: {  	[spmem:s2] =	stream.indirect.scatter.add.f32 [tilespmem:s15], [sflag:$0x2], $0x20, s18, s14, $0xb8;
	[tilespmem:$0xAF00] =	vst v63  }
0x32: {  	_ =	swait.ge [sflag:s12], $0x1000  }
0x33: {  	s17 =	sadd.s32 $0x1, s17;
	[sflag:s12] =	ssyncset.done $0x0  }
0x34: {  	p0 =	sne.s32 s17, s10;
	[sflag:s12] =	ssyncadd.s32 $0xFFFFF000  }
.Ltmp1:
0x35: {  	[bflag:$0x0] =	sbarrier.arrive $0xFFFF;
	(pc) =	sbr.rel @p0 .LBB2_1-.Ltmp1, $4  }
0x36: {  	[hbm:s9], [sflag:s6] =	dma.local [spmem:s11], $0xA00  }
0x37: {  	_ =	swait.ge [sflag:s12], $0xA00  }
0x38: {  	[sflag:s12] =	ssyncset.done $0x0  }
0x39: {  	[sflag:s12] =	ssyncadd.s32 $0xFFFFF600  }
0x3a: {  	_ =	sfence.sel $0x180000  }
0x3b: {  	[bflag:$0x0] =	sbarrier.arrive $0xFFFF  }
0x3c: {  	p0 =	sne.s32 s0, $0x0;
	_ =	strace $0x90000047  }
0x3d: {  	s0 =	sadd.s32 @!p0 $0x100000, s1;
	[bflag:$0x2] =	sbarrier.arrive $0xFFFF  }
0x3e: {  	[sflag:s0] =	ssyncadd.tile.s32 @!p0 $0x1;
	_ =	shalt  }
.Lfunc_end2:
_tile_overlayer_lowered:
.L_overlay_start_2:
0x3f: {  	(tag) =	ssettag $0x2  }
0x40: {  	s0 =	rddreg [dreg:$0x0];
	s2 =	stileid.u32  }
0x41: {  	s1 =	rddreg [dreg:$0x1];
	p0 =	sne.s32 s2, $0x0  }
0x42: {  	s3 =	rddreg [dreg:$0x2];
	[bflag:$0x3] =	sbarrier.arrive $0xFFFF;
	s2 =	simm.s32 @!p0 $0x1C02  }
0x43: {  	[timem:s3], [sflag:s2] =	dma.local @!p0 [hbm:s0], s1  }
0x44: {  	s0 =	simm.s32 @!p0 $0x2  }
0x45: {  	_ =	swait.ge @!p0 [sflag:s0], s1  }
0x46: {  	s1 =	ssub.s32 @!p0 $0x0, s1;
	[sflag:s0] =	ssyncset.done @!p0 $0x0  }
0x47: {  	[sflag:s0] =	ssyncadd.s32 @!p0 s1  }
0x48: {  	[bflag:$0x3] =	sbarrier.arrive $0xFFFF  }
0x49: {  	_ =	shalt  }

</sc_bundles>
